<compile_context>
chip_gen: v7x
topology: tpu7x:2x2x1
jax: 0.10.2.dev20260603
libtpu: 0.0.44.dev20260713+nightly
codegen_flags: <defaults>
</compile_context>

<pallas_src>
import functools

import jax
import jax.numpy as jnp
from jax import lax
from jax.experimental import pallas as pl
from jax.experimental.pallas import tpu as pltpu
from jax.experimental.pallas import tpu_sc as plsc

N = 10000
E = 160000
B = 64
DF = 256
DE = 16
GIN = 64
HID = 512
OUT = 256
NHID = 3

NC = 2
NS = 16
NW = NC * NS
CH = 125
NCHUNK = E // CH
TILE_C = NCHUNK // NW
EPT = TILE_C * CH
NROW = 10240
RPT = NROW // NS


def _sc_edge_scatter(ei3d, attr):
    mesh = plsc.VectorSubcoreMesh(core_axis_name="c", subcore_axis_name="s")

    @functools.partial(
        pl.kernel,
        out_type=(
            jax.ShapeDtypeStruct((NC, NROW, DE), jnp.float32),
            jax.ShapeDtypeStruct((NC, NROW, DE), jnp.float32),
        ),
        mesh=mesh,
        compiler_params=pltpu.CompilerParams(use_tc_tiling_on_sc=False),
        scratch_types=[
            pltpu.VMEM((TILE_C, CH), jnp.int32),
            pltpu.VMEM((EPT, DE), jnp.float32),
            pltpu.VMEM((RPT, DE), jnp.float32),
            pltpu.VMEM((CH, DE), jnp.float32),
            pltpu.VMEM_SHARED((NROW, DE), jnp.float32),
            pltpu.VMEM_SHARED((NROW, DE), jnp.float32),
            pltpu.SemaphoreType.DMA,
            pltpu.SemaphoreType.DMA,
        ],
    )
    def k(dst_hbm, attr_hbm, val_out, cnt_out,
          idx_all, attr_all, zrow, ones_rows,
          val_sh, cnt_sh, sem_v, sem_c):
        c = lax.axis_index("c")
        s = lax.axis_index("s")
        wid = c * NS + s

        zeros16 = jnp.zeros((16,), jnp.float32)
        lane = lax.iota(jnp.int32, 16)
        onehot = jnp.where(lane == 0, 1.0, 0.0).astype(jnp.float32)

        h_idx = pltpu.async_copy(dst_hbm.at[1, pl.ds(wid * TILE_C, TILE_C)],
                                 idx_all, sem_v)
        h_attr = pltpu.async_copy(attr_hbm.at[pl.ds(wid * EPT, EPT)],
                                  attr_all, sem_c)

        def _zero_zrow(i, carry):
            zrow[i, :] = zeros16
            return carry
        lax.fori_loop(0, RPT, _zero_zrow, 0)

        def _fill_ones(i, carry):
            ones_rows[i, :] = onehot
            return carry
        lax.fori_loop(0, CH, _fill_ones, 0)

        pltpu.sync_copy(zrow, val_sh.at[pl.ds(s * RPT, RPT)])
        pltpu.sync_copy(zrow, cnt_sh.at[pl.ds(s * RPT, RPT)])

        plsc.subcore_barrier()
        h_idx.wait()
        h_attr.wait()

        WAVE = 20

        def _wave(w, carry):
            hs = []
            for j in range(WAVE):
                ci = w * WAVE + j
                hs.append(pltpu.async_copy(
                    attr_all.at[pl.ds(ci * CH, CH)],
                    val_sh.at[idx_all.at[ci]], sem_v, add=True))
                hs.append(pltpu.async_copy(
                    ones_rows, cnt_sh.at[idx_all.at[ci]], sem_c, add=True))
            for h in hs:
                h.wait()
            return carry
        lax.fori_loop(0, TILE_C // WAVE, _wave, 0)

        plsc.subcore_barrier()

        h1 = pltpu.async_copy(val_sh.at[pl.ds(s * RPT, RPT)],
                              val_out.at[c, pl.ds(s * RPT, RPT)], sem_v)
        h2 = pltpu.async_copy(cnt_sh.at[pl.ds(s * RPT, RPT)],
                              cnt_out.at[c, pl.ds(s * RPT, RPT)], sem_c)
        h1.wait()
        h2.wait()

    return k(ei3d, attr)


NBLK = 5
CHN = N // NBLK
NRV = NROW * DE // 128
NPK = 128 // DE


def _elu(v):
    return jnp.where(v > 0, v, jnp.exp(v) - 1.0)


def _dot_nt(a, w):
    return lax.dot_general(a, w, (((1,), (1,)), ((), ())),
                           preferred_element_type=jnp.float32)


def _tc1_body(x_ref, b_ref, xs_ref, cs_ref, accx, accc):
    i = pl.program_id(0)

    @pl.when(i == 0)
    def _():
        accx[...] = jnp.zeros_like(accx)
        accc[...] = jnp.zeros_like(accc)

    bblk = b_ref[0]
    iota = lax.broadcasted_iota(jnp.int32, (B, CHN), 0)
    mask = (bblk == iota).astype(jnp.float32)
    accx[...] += jnp.dot(mask, x_ref[...], preferred_element_type=jnp.float32)
    accc[...] += jnp.sum(mask, axis=1, keepdims=True)

    @pl.when(i == NBLK - 1)
    def _():
        xs_ref[...] = accx[...]
        cs_ref[...] = jnp.broadcast_to(accc[...], (B, 128))


def _tc1(x, batch3d):
    return pl.pallas_call(
        _tc1_body,
        grid=(NBLK,),
        in_specs=[
            pl.BlockSpec((CHN, DF), lambda i: (i, 0)),
            pl.BlockSpec((1, 1, CHN), lambda i: (i, 0, 0)),
        ],
        out_specs=[pl.BlockSpec((B, DF), lambda i: (0, 0)),
                   pl.BlockSpec((B, 128), lambda i: (0, 0))],
        out_shape=[jax.ShapeDtypeStruct((B, DF), jnp.float32),
                   jax.ShapeDtypeStruct((B, 128), jnp.float32)],
        scratch_shapes=[
            pltpu.VMEM((B, DF), jnp.float32),
            pltpu.VMEM((B, 1), jnp.float32),
        ],
    )(x, batch3d)


def _tc2_body(b8_ref, u_ref, val_ref, cnt_ref, xs_ref, cs_ref, win_ref,
              bin_ref, wh_ref, bh_ref, wo_ref, g_ref, beta_ref, out_ref):
    c128 = cnt_ref[0] + cnt_ref[1]
    kk = lax.broadcasted_iota(jnp.int32, (128, 128), 0)
    ll = lax.broadcasted_iota(jnp.int32, (128, 128), 1)
    sel = (kk == (ll // DE) * DE).astype(jnp.float32)
    cb = jnp.dot(c128, sel, preferred_element_type=jnp.float32)
    em128 = (val_ref[0] + val_ref[1]) / jnp.maximum(cb, 1.0)
    iota8 = lax.broadcasted_iota(jnp.int32, (B, NRV), 0)
    ae = jnp.zeros((B, DE), jnp.float32)
    for a in range(NPK):
        mask_a = (b8_ref[a:a + 1, :] == iota8).astype(jnp.float32)
        ae = ae + jnp.dot(mask_a, em128[:, a * DE:(a + 1) * DE],
                          preferred_element_type=jnp.float32)

    cnt = jnp.maximum(cs_ref[:, 0:1], 1.0)
    node_mean = xs_ref[...] / cnt
    edge_mean = ae / cnt
    feat = jnp.concatenate([u_ref[...], node_mean, edge_mean], axis=1)
    h = _elu(_dot_nt(feat, win_ref[...]) + bin_ref[...])
    skip = h
    for l in range(NHID):
        h = _elu(_dot_nt(h, wh_ref[l]) + bh_ref[l])
    h = h + skip
    z = _dot_nt(h, wo_ref[...])
    mu = jnp.mean(z, axis=-1, keepdims=True)
    var = jnp.mean((z - mu) ** 2, axis=-1, keepdims=True)
    z = (z - mu) / jnp.sqrt(var + 1e-5) * g_ref[...] + beta_ref[...]
    out_ref[...] = _elu(z)


def _tc2(batch8, u, val, cnt, xs, cs, W_in, bin2, W_hid, bh3, W_out,
         g2, beta2):
    return pl.pallas_call(
        _tc2_body,
        out_shape=jax.ShapeDtypeStruct((B, OUT), jnp.float32),
    )(batch8, u, val, cnt, xs, cs, W_in, bin2, W_hid, bh3, W_out, g2, beta2)


def kernel(x, edge_index, edge_attr, u, batch, W_in, b_in, W_hid, b_hid,
           W_out, gamma, beta):
    ei3d = edge_index.reshape(2, NCHUNK, CH)
    val, cnt = _sc_edge_scatter(ei3d, edge_attr)
    val = val.reshape(NC, NRV, 128)
    cnt = cnt.reshape(NC, NRV, 128)

    batch3d = batch.reshape(NBLK, 1, CHN)
    batch8 = jnp.pad(batch, (0, NROW - N), constant_values=B)
    batch8 = batch8.reshape(NRV, NPK).T
    xs, cs = _tc1(x, batch3d)
    return _tc2(batch8, u, val, cnt, xs, cs, W_in, b_in[None, :], W_hid,
                b_hid[:, None, :], W_out, gamma[None, :], beta[None, :])

# --- scband reference (transcript-rebuilt; emitter-appended) ---
"""Pipeline reference for scband-global-layer-11501922419366 (READ-ONLY COPY).

The authoritative reference and input builder live on the scoring server;
editing this copy changes nothing except your own understanding.
"""

import jax, jax.numpy as jnp
import numpy as np

N = 10000
E = 160000
B = 64
DF = 256
DE = 16
GIN = 64
HID = 512
OUT = 256
NHID = 3


def setup_inputs(seed: int = 0) -> dict:
    key = jax.random.key(seed)
    ks = jax.random.split(key, 16)
    x = jax.random.normal(ks[0], (N, DF), dtype=jnp.float32)
    edge_index = jax.random.randint(ks[1], (2, E), 0, N, dtype=jnp.int32)
    edge_attr = jax.random.normal(ks[2], (E, DE), dtype=jnp.float32)
    u = jax.random.normal(ks[3], (B, GIN), dtype=jnp.float32)
    batch = jnp.sort(jax.random.randint(ks[4], (N,), 0, B, dtype=jnp.int32))
    din = DF + DE + GIN
    W_in = jax.random.normal(ks[5], (HID, din), dtype=jnp.float32) * (2.0 / (din + HID)) ** 0.5
    b_in = jnp.zeros((HID,), dtype=jnp.float32)
    W_hid = jax.random.normal(ks[6], (NHID, HID, HID), dtype=jnp.float32) * (1.0 / HID) ** 0.5
    b_hid = jnp.zeros((NHID, HID), dtype=jnp.float32)
    W_out = jax.random.normal(ks[7], (OUT, HID), dtype=jnp.float32) * (2.0 / (HID + OUT)) ** 0.5
    gamma = jnp.ones((OUT,), dtype=jnp.float32)
    beta = jnp.zeros((OUT,), dtype=jnp.float32)
    return {"x": x, "edge_index": edge_index, "edge_attr": edge_attr, "u": u,
            "batch": batch, "W_in": W_in, "b_in": b_in, "W_hid": W_hid,
            "b_hid": b_hid, "W_out": W_out, "gamma": gamma, "beta": beta}


def _segment_mean(data, ids, num_segments):
    s = jax.ops.segment_sum(data, ids, num_segments=num_segments)
    c = jax.ops.segment_sum(jnp.ones((data.shape[0], 1), dtype=data.dtype), ids, num_segments=num_segments)
    return s / jnp.maximum(c, 1.0)


def reference(x, edge_index, edge_attr, u, batch, W_in, b_in, W_hid, b_hid, W_out, gamma, beta):
    # node_mean = scatter(x, batch, reduce='mean') -> [B, DF]
    node_mean = _segment_mean(x, batch, B)
    # edge_mean = scatter(edge_attr, edge_index[1], reduce='mean') -> per-node [N, DE]
    dst = edge_index[1]
    edge_mean_node = _segment_mean(edge_attr, dst, N)
    # edge_mean = scatter(edge_mean, batch, reduce='mean') -> per-graph [B, DE]
    edge_mean = _segment_mean(edge_mean_node, batch, B)
    out = jnp.concatenate([u, node_mean, edge_mean], axis=1)
    h = jax.nn.elu(out @ W_in.T + b_in)
    # dropout is identity in eval mode
    skip = h
    for i in range(NHID):
        h = jax.nn.elu(h @ W_hid[i].T + b_hid[i])
    h = h + skip  # num_hid_layers > 1
    z = h @ W_out.T  # lin_out, no bias (normalize is not None)
    mu = jnp.mean(z, axis=-1, keepdims=True)
    var = jnp.mean((z - mu) ** 2, axis=-1, keepdims=True)
    z = (z - mu) / jnp.sqrt(var + 1e-5) * gamma + beta
    return jax.nn.elu(z)

if __name__ == "__main__":
    import jax
    _d = setup_inputs()
    print(jax.jit(kernel)(*tuple(_d.values())))

</pallas_src>

<mosaic_0001>
#map = affine_map<(d0, d1) -> (0, 0, 0)>
#map1 = affine_map<(d0, d1) -> (0, 0)>
module attributes {stable_mosaic.version = 14 : i64} {
  func.func @k(%arg0: i32, %arg1: i32, %arg2: memref<2x1280x125xi32, #tpu.memory_space<hbm>>, %arg3: memref<160000x16xf32, #tpu.memory_space<hbm>>, %arg4: memref<2x10240x16xf32, #tpu.memory_space<hbm>>, %arg5: memref<2x10240x16xf32, #tpu.memory_space<hbm>>, %arg6: memref<40x125xi32, #tpu.memory_space<vmem>>, %arg7: memref<5000x16xf32, #tpu.memory_space<vmem>>, %arg8: memref<640x16xf32, #tpu.memory_space<vmem>>, %arg9: memref<125x16xf32, #tpu.memory_space<vmem>>, %arg10: memref<10240x16xf32, #tpu.memory_space<vmem_shared>>, %arg11: memref<10240x16xf32, #tpu.memory_space<vmem_shared>>, %arg12: memref<!tpu.dma_semaphore, #tpu.memory_space<semaphore_mem>>, %arg13: memref<!tpu.dma_semaphore, #tpu.memory_space<semaphore_mem>>) attributes {dimension_semantics = [#tpu.dimension_semantics<core_parallel>, #tpu.dimension_semantics<subcore_parallel>], iteration_bounds = array<i64: 2, 16>, scalar_prefetch = 0 : i64, scratch_operands = 8 : i64, tpu.core_type = #tpu.core_type<sc_vector_subcore>, window_params = [{transform_indices = #map}, {transform_indices = #map1}, {transform_indices = #map}, {transform_indices = #map}]} {
    %mul3A = arith.constant 16 : i32
    %mul3A_0 = arith.muli %arg0, %mul3A : i32
    %add3A = arith.addi %mul3A_0, %arg1 : i32
    %broadcast_in_dim3A = arith.constant 0.000000e+00 : f32
    %broadcast_in_dim3A_1 = vector.broadcast %broadcast_in_dim3A : f32 to vector<16xf32>
    %iota3A = tpu.iota {dimensions = array<i32: 0>} : vector<16xi32>
    %eq3A = arith.constant 0 : i32
    %eq3A_2 = vector.broadcast %eq3A : i32 to vector<16xi32>
    %eq3A_3 = arith.cmpi eq, %iota3A, %eq3A_2 : vector<16xi32>
    %jit3A = arith.constant 1.000000e+00 : f32
    %jit3A_4 = arith.constant 0.000000e+00 : f32
    %broadcast_in_dim3A_5 = vector.broadcast %jit3A : f32 to vector<16xf32>
    %broadcast_in_dim3A_6 = vector.broadcast %jit3A_4 : f32 to vector<16xf32>
    %select_n3A = arith.select %eq3A_3, %broadcast_in_dim3A_5, %broadcast_in_dim3A_6 : vector<16xi1>, vector<16xf32>
    %mul3A_7 = arith.constant 40 : i32
    %mul3A_8 = arith.muli %add3A, %mul3A_7 : i32
    %dma_start3A = arith.constant 1 : i32
    %dma_start3A_9 = arith.constant 0 : i32
    %dma_start3A_10 = tpu.memref_slice %arg2[%dma_start3A, %mul3A_8, %dma_start3A_9] : memref<2x1280x125xi32, #tpu.memory_space<hbm>> -> memref<1x40x125xi32, #tpu.memory_space<hbm>>
    %dma_start3A_11 = tpu.memref_squeeze %dma_start3A_10 : memref<1x40x125xi32, #tpu.memory_space<hbm>> -> memref<40x125xi32, #tpu.memory_space<hbm>>
    %dma_start3A_12 = arith.constant 0 : i32
    %dma_start3A_13 = tpu.memref_slice %arg2[%dma_start3A, %mul3A_8, %dma_start3A_12] : memref<2x1280x125xi32, #tpu.memory_space<hbm>> -> memref<1x40x125xi32, #tpu.memory_space<hbm>>
    %dma_start3A_14 = tpu.memref_squeeze %dma_start3A_13 : memref<1x40x125xi32, #tpu.memory_space<hbm>> -> memref<40x125xi32, #tpu.memory_space<hbm>>
    tpu.enqueue_dma source(%dma_start3A_14 : memref<40x125xi32, #tpu.memory_space<hbm>>) target(%arg6 : memref<40x125xi32, #tpu.memory_space<vmem>>) target_semaphore(%arg12 : memref<!tpu.dma_semaphore, #tpu.memory_space<semaphore_mem>>)
    %mul3A_15 = arith.constant 5000 : i32
    %mul3A_16 = arith.muli %add3A, %mul3A_15 : i32
    %dma_start3A_17 = arith.constant 0 : i32
    %dma_start3A_18 = tpu.memref_slice %arg3[%mul3A_16, %dma_start3A_17] : memref<160000x16xf32, #tpu.memory_space<hbm>> -> memref<5000x16xf32, #tpu.memory_space<hbm>>
    %dma_start3A_19 = arith.constant 0 : i32
    %dma_start3A_20 = tpu.memref_slice %arg3[%mul3A_16, %dma_start3A_19] : memref<160000x16xf32, #tpu.memory_space<hbm>> -> memref<5000x16xf32, #tpu.memory_space<hbm>>
    tpu.enqueue_dma source(%dma_start3A_20 : memref<5000x16xf32, #tpu.memory_space<hbm>>) target(%arg7 : memref<5000x16xf32, #tpu.memory_space<vmem>>) target_semaphore(%arg13 : memref<!tpu.dma_semaphore, #tpu.memory_space<semaphore_mem>>)
    %scan3A = arith.constant 0 : i32
    %scan3A_21 = arith.constant 0 : i32
    %scan3A_22 = arith.constant 640 : i32
    %scan3A_23 = arith.addi %scan3A_21, %scan3A_22 : i32
    %scan3A_24 = arith.constant 1 : i32
    scf.for %scan3A_81 = %scan3A_21 to %scan3A_23 step %scan3A_24  : i32 {
      %swap3A = arith.index_cast %scan3A_81 : i32 to index
      %swap3A_82 = arith.constant 0 : index
      %swap3A_83 = tpu.vector_load %arg8[%swap3A, %swap3A_82] {strides = array<i32>} : memref<640x16xf32, #tpu.memory_space<vmem>>, vector<1x16xf32>,
      %swap3A_84 = vector.shape_cast %swap3A_83 : vector<1x16xf32> to vector<16xf32>
      %swap3A_85 = vector.shape_cast %broadcast_in_dim3A_1 : vector<16xf32> to vector<1x16xf32>
      tpu.vector_store %arg8[%swap3A, %swap3A_82], %swap3A_85 {strides = array<i32>} : memref<640x16xf32, #tpu.memory_space<vmem>>, vector<1x16xf32>,
    }
    %scan3A_25 = arith.constant 640 : i32
    %scan3A_26 = arith.constant 0 : i32
    %scan3A_27 = arith.constant 0 : i32
    %scan3A_28 = arith.constant 125 : i32
    %scan3A_29 = arith.addi %scan3A_27, %scan3A_28 : i32
    %scan3A_30 = arith.constant 1 : i32
    scf.for %scan3A_81 = %scan3A_27 to %scan3A_29 step %scan3A_30  : i32 {
      %swap3A = arith.index_cast %scan3A_81 : i32 to index
      %swap3A_82 = arith.constant 0 : index
      %swap3A_83 = tpu.vector_load %arg9[%swap3A, %swap3A_82] {strides = array<i32>} : memref<125x16xf32, #tpu.memory_space<vmem>>, vector<1x16xf32>,
      %swap3A_84 = vector.shape_cast %swap3A_83 : vector<1x16xf32> to vector<16xf32>
      %swap3A_85 = vector.shape_cast %select_n3A : vector<16xf32> to vector<1x16xf32>
      tpu.vector_store %arg9[%swap3A, %swap3A_82], %swap3A_85 {strides = array<i32>} : memref<125x16xf32, #tpu.memory_space<vmem>>, vector<1x16xf32>,
    }
    %scan3A_31 = arith.constant 125 : i32
    %mul3A_32 = arith.constant 640 : i32
    %mul3A_33 = arith.muli %arg1, %mul3A_32 : i32
    "tpu.region"() ({
      %run_scoped3A = tpu.sem_alloc : memref<!tpu.dma_semaphore, #tpu.memory_space<semaphore_mem>>
      %dma_start3A_81 = arith.constant 0 : i32
      %dma_start3A_82 = tpu.memref_slice %arg10[%mul3A_33, %dma_start3A_81] : memref<10240x16xf32, #tpu.memory_space<vmem_shared>> -> memref<640x16xf32, #tpu.memory_space<vmem_shared>>
      %dma_start3A_83 = arith.constant 0 : i32
      %dma_start3A_84 = tpu.memref_slice %arg10[%mul3A_33, %dma_start3A_83] : memref<10240x16xf32, #tpu.memory_space<vmem_shared>> -> memref<640x16xf32, #tpu.memory_space<vmem_shared>>
      tpu.enqueue_dma source(%arg8 : memref<640x16xf32, #tpu.memory_space<vmem>>) target(%dma_start3A_84 : memref<640x16xf32, #tpu.memory_space<vmem_shared>>) target_semaphore(%run_scoped3A : memref<!tpu.dma_semaphore, #tpu.memory_space<semaphore_mem>>)
      %dma_wait3A_85 = arith.constant 0 : i32
      %dma_wait3A_86 = tpu.memref_slice %arg10[%mul3A_33, %dma_wait3A_85] : memref<10240x16xf32, #tpu.memory_space<vmem_shared>> -> memref<640x16xf32, #tpu.memory_space<vmem_shared>>
      %dma_wait3A_87 = arith.constant 0 : i32
      %dma_wait3A_88 = tpu.memref_slice %arg10[%mul3A_33, %dma_wait3A_87] : memref<10240x16xf32, #tpu.memory_space<vmem_shared>> -> memref<640x16xf32, #tpu.memory_space<vmem_shared>>
      tpu.wait_dma2 semaphore(%run_scoped3A : memref<!tpu.dma_semaphore, #tpu.memory_space<semaphore_mem>>) src(%arg8 : memref<640x16xf32, #tpu.memory_space<vmem>>) dst(%dma_wait3A_88 : memref<640x16xf32, #tpu.memory_space<vmem_shared>>)
      tpu.yield
    }) : () -> ()
    %mul3A_34 = arith.constant 640 : i32
    %mul3A_35 = arith.muli %arg1, %mul3A_34 : i32
    "tpu.region"() ({
      %run_scoped3A = tpu.sem_alloc : memref<!tpu.dma_semaphore, #tpu.memory_space<semaphore_mem>>
      %dma_start3A_81 = arith.constant 0 : i32
      %dma_start3A_82 = tpu.memref_slice %arg11[%mul3A_35, %dma_start3A_81] : memref<10240x16xf32, #tpu.memory_space<vmem_shared>> -> memref<640x16xf32, #tpu.memory_space<vmem_shared>>
      %dma_start3A_83 = arith.constant 0 : i32
      %dma_start3A_84 = tpu.memref_slice %arg11[%mul3A_35, %dma_start3A_83] : memref<10240x16xf32, #tpu.memory_space<vmem_shared>> -> memref<640x16xf32, #tpu.memory_space<vmem_shared>>
      tpu.enqueue_dma source(%arg8 : memref<640x16xf32, #tpu.memory_space<vmem>>) target(%dma_start3A_84 : memref<640x16xf32, #tpu.memory_space<vmem_shared>>) target_semaphore(%run_scoped3A : memref<!tpu.dma_semaphore, #tpu.memory_space<semaphore_mem>>)
      %dma_wait3A_85 = arith.constant 0 : i32
      %dma_wait3A_86 = tpu.memref_slice %arg11[%mul3A_35, %dma_wait3A_85] : memref<10240x16xf32, #tpu.memory_space<vmem_shared>> -> memref<640x16xf32, #tpu.memory_space<vmem_shared>>
      %dma_wait3A_87 = arith.constant 0 : i32
      %dma_wait3A_88 = tpu.memref_slice %arg11[%mul3A_35, %dma_wait3A_87] : memref<10240x16xf32, #tpu.memory_space<vmem_shared>> -> memref<640x16xf32, #tpu.memory_space<vmem_shared>>
      tpu.wait_dma2 semaphore(%run_scoped3A : memref<!tpu.dma_semaphore, #tpu.memory_space<semaphore_mem>>) src(%arg8 : memref<640x16xf32, #tpu.memory_space<vmem>>) dst(%dma_wait3A_88 : memref<640x16xf32, #tpu.memory_space<vmem_shared>>)
      tpu.yield
    }) : () -> ()
    %barrier3A = arith.constant 0 : index
    tpu.barrier barrier_id(%barrier3A)
    %dma_wait3A = arith.constant 1 : i32
    %dma_wait3A_36 = arith.constant 0 : i32
    %dma_wait3A_37 = tpu.memref_slice %arg2[%dma_wait3A, %mul3A_8, %dma_wait3A_36] : memref<2x1280x125xi32, #tpu.memory_space<hbm>> -> memref<1x40x125xi32, #tpu.memory_space<hbm>>
    %dma_wait3A_38 = tpu.memref_squeeze %dma_wait3A_37 : memref<1x40x125xi32, #tpu.memory_space<hbm>> -> memref<40x125xi32, #tpu.memory_space<hbm>>
    %dma_wait3A_39 = arith.constant 0 : i32
    %dma_wait3A_40 = tpu.memref_slice %arg2[%dma_wait3A, %mul3A_8, %dma_wait3A_39] : memref<2x1280x125xi32, #tpu.memory_space<hbm>> -> memref<1x40x125xi32, #tpu.memory_space<hbm>>
    %dma_wait3A_41 = tpu.memref_squeeze %dma_wait3A_40 : memref<1x40x125xi32, #tpu.memory_space<hbm>> -> memref<40x125xi32, #tpu.memory_space<hbm>>
    tpu.wait_dma2 semaphore(%arg12 : memref<!tpu.dma_semaphore, #tpu.memory_space<semaphore_mem>>) src(%dma_wait3A_41 : memref<40x125xi32, #tpu.memory_space<hbm>>) dst(%arg6 : memref<40x125xi32, #tpu.memory_space<vmem>>)
    %dma_wait3A_42 = arith.constant 0 : i32
    %dma_wait3A_43 = tpu.memref_slice %arg3[%mul3A_16, %dma_wait3A_42] : memref<160000x16xf32, #tpu.memory_space<hbm>> -> memref<5000x16xf32, #tpu.memory_space<hbm>>
    %dma_wait3A_44 = arith.constant 0 : i32
    %dma_wait3A_45 = tpu.memref_slice %arg3[%mul3A_16, %dma_wait3A_44] : memref<160000x16xf32, #tpu.memory_space<hbm>> -> memref<5000x16xf32, #tpu.memory_space<hbm>>
    tpu.wait_dma2 semaphore(%arg13 : memref<!tpu.dma_semaphore, #tpu.memory_space<semaphore_mem>>) src(%dma_wait3A_45 : memref<5000x16xf32, #tpu.memory_space<hbm>>) dst(%arg7 : memref<5000x16xf32, #tpu.memory_space<vmem>>)
    %scan3A_46 = arith.constant 0 : i32
    %scan3A_47 = arith.constant 0 : i32
    %scan3A_48 = arith.constant 2 : i32
    %scan3A_49 = arith.addi %scan3A_47, %scan3A_48 : i32
    %scan3A_50 = arith.constant 1 : i32
    scf.for %scan3A_81 = %scan3A_47 to %scan3A_49 step %scan3A_50  : i32 {
      %mul3A_82 = arith.constant 20 : i32
      %mul3A_83 = arith.muli %scan3A_81, %mul3A_82 : i32
      %add3A_84 = arith.constant 0 : i32
      %add3A_85 = arith.addi %mul3A_83, %add3A_84 : i32
      %mul3A_86 = arith.constant 125 : i32
      %mul3A_87 = arith.muli %add3A_85, %mul3A_86 : i32
      %dma_start3A_88 = arith.constant 0 : i32
      %dma_start3A_89 = tpu.memref_slice %arg7[%mul3A_87, %dma_start3A_88] : memref<5000x16xf32, #tpu.memory_space<vmem>> -> memref<125x16xf32, #tpu.memory_space<vmem>>
      %dma_start3A_90 = arith.constant 0 : i32
      %dma_start3A_91 = tpu.memref_slice %arg6[%add3A_85, %dma_start3A_90] : memref<40x125xi32, #tpu.memory_space<vmem>> -> memref<1x125xi32, #tpu.memory_space<vmem>>
      %dma_start3A_92 = tpu.memref_squeeze %dma_start3A_91 : memref<1x125xi32, #tpu.memory_space<vmem>> -> memref<125xi32, #tpu.memory_space<vmem>>
      %dma_start3A_93 = arith.constant 0 : i32
      %dma_start3A_94 = arith.constant 0 : i32
      %dma_start3A_95 = tpu.memref_slice %arg10[%dma_start3A_93, %dma_start3A_94] : memref<10240x16xf32, #tpu.memory_space<vmem_shared>> -> memref<10240x16xf32, #tpu.memory_space<vmem_shared>>
      tpu.enqueue_indirect_dma source(%dma_start3A_89 : memref<125x16xf32, #tpu.memory_space<vmem>>) target(%dma_start3A_95 : memref<10240x16xf32, #tpu.memory_space<vmem_shared>>) offsets(%dma_start3A_92 : memref<125xi32, #tpu.memory_space<vmem>>) semaphore(%arg12 : memref<!tpu.dma_semaphore, #tpu.memory_space<semaphore_mem>>) {add = true}
      %dma_start3A_96 = arith.constant 0 : i32
      %dma_start3A_97 = tpu.memref_slice %arg6[%add3A_85, %dma_start3A_96] : memref<40x125xi32, #tpu.memory_space<vmem>> -> memref<1x125xi32, #tpu.memory_space<vmem>>
      %dma_start3A_98 = tpu.memref_squeeze %dma_start3A_97 : memref<1x125xi32, #tpu.memory_space<vmem>> -> memref<125xi32, #tpu.memory_space<vmem>>
      %dma_start3A_99 = arith.constant 0 : i32
      %dma_start3A_100 = arith.constant 0 : i32
      %dma_start3A_101 = tpu.memref_slice %arg11[%dma_start3A_99, %dma_start3A_100] : memref<10240x16xf32, #tpu.memory_space<vmem_shared>> -> memref<10240x16xf32, #tpu.memory_space<vmem_shared>>
      tpu.enqueue_indirect_dma source(%arg9 : memref<125x16xf32, #tpu.memory_space<vmem>>) target(%dma_start3A_101 : memref<10240x16xf32, #tpu.memory_space<vmem_shared>>) offsets(%dma_start3A_98 : memref<125xi32, #tpu.memory_space<vmem>>) semaphore(%arg13 : memref<!tpu.dma_semaphore, #tpu.memory_space<semaphore_mem>>) {add = true}
      %mul3A_102 = arith.constant 20 : i32
      %mul3A_103 = arith.muli %scan3A_81, %mul3A_102 : i32
      %add3A_104 = arith.constant 1 : i32
      %add3A_105 = arith.addi %mul3A_103, %add3A_104 : i32
      %mul3A_106 = arith.constant 125 : i32
      %mul3A_107 = arith.muli %add3A_105, %mul3A_106 : i32
      %dma_start3A_108 = arith.constant 0 : i32
      %dma_start3A_109 = tpu.memref_slice %arg7[%mul3A_107, %dma_start3A_108] : memref<5000x16xf32, #tpu.memory_space<vmem>> -> memref<125x16xf32, #tpu.memory_space<vmem>>
      %dma_start3A_110 = arith.constant 0 : i32
      %dma_start3A_111 = tpu.memref_slice %arg6[%add3A_105, %dma_start3A_110] : memref<40x125xi32, #tpu.memory_space<vmem>> -> memref<1x125xi32, #tpu.memory_space<vmem>>
      %dma_start3A_112 = tpu.memref_squeeze %dma_start3A_111 : memref<1x125xi32, #tpu.memory_space<vmem>> -> memref<125xi32, #tpu.memory_space<vmem>>
      %dma_start3A_113 = arith.constant 0 : i32
      %dma_start3A_114 = arith.constant 0 : i32
      %dma_start3A_115 = tpu.memref_slice %arg10[%dma_start3A_113, %dma_start3A_114] : memref<10240x16xf32, #tpu.memory_space<vmem_shared>> -> memref<10240x16xf32, #tpu.memory_space<vmem_shared>>
      tpu.enqueue_indirect_dma source(%dma_start3A_109 : memref<125x16xf32, #tpu.memory_space<vmem>>) target(%dma_start3A_115 : memref<10240x16xf32, #tpu.memory_space<vmem_shared>>) offsets(%dma_start3A_112 : memref<125xi32, #tpu.memory_space<vmem>>) semaphore(%arg12 : memref<!tpu.dma_semaphore, #tpu.memory_space<semaphore_mem>>) {add = true}
      %dma_start3A_116 = arith.constant 0 : i32
      %dma_start3A_117 = tpu.memref_slice %arg6[%add3A_105, %dma_start3A_116] : memref<40x125xi32, #tpu.memory_space<vmem>> -> memref<1x125xi32, #tpu.memory_space<vmem>>
      %dma_start3A_118 = tpu.memref_squeeze %dma_start3A_117 : memref<1x125xi32, #tpu.memory_space<vmem>> -> memref<125xi32, #tpu.memory_space<vmem>>
      %dma_start3A_119 = arith.constant 0 : i32
      %dma_start3A_120 = arith.constant 0 : i32
      %dma_start3A_121 = tpu.memref_slice %arg11[%dma_start3A_119, %dma_start3A_120] : memref<10240x16xf32, #tpu.memory_space<vmem_shared>> -> memref<10240x16xf32, #tpu.memory_space<vmem_shared>>
      tpu.enqueue_indirect_dma source(%arg9 : memref<125x16xf32, #tpu.memory_space<vmem>>) target(%dma_start3A_121 : memref<10240x16xf32, #tpu.memory_space<vmem_shared>>) offsets(%dma_start3A_118 : memref<125xi32, #tpu.memory_space<vmem>>) semaphore(%arg13 : memref<!tpu.dma_semaphore, #tpu.memory_space<semaphore_mem>>) {add = true}
      %mul3A_122 = arith.constant 20 : i32
      %mul3A_123 = arith.muli %scan3A_81, %mul3A_122 : i32
      %add3A_124 = arith.constant 2 : i32
      %add3A_125 = arith.addi %mul3A_123, %add3A_124 : i32
      %mul3A_126 = arith.constant 125 : i32
      %mul3A_127 = arith.muli %add3A_125, %mul3A_126 : i32
      %dma_start3A_128 = arith.constant 0 : i32
      %dma_start3A_129 = tpu.memref_slice %arg7[%mul3A_127, %dma_start3A_128] : memref<5000x16xf32, #tpu.memory_space<vmem>> -> memref<125x16xf32, #tpu.memory_space<vmem>>
      %dma_start3A_130 = arith.constant 0 : i32
      %dma_start3A_131 = tpu.memref_slice %arg6[%add3A_125, %dma_start3A_130] : memref<40x125xi32, #tpu.memory_space<vmem>> -> memref<1x125xi32, #tpu.memory_space<vmem>>
      %dma_start3A_132 = tpu.memref_squeeze %dma_start3A_131 : memref<1x125xi32, #tpu.memory_space<vmem>> -> memref<125xi32, #tpu.memory_space<vmem>>
      %dma_start3A_133 = arith.constant 0 : i32
      %dma_start3A_134 = arith.constant 0 : i32
      %dma_start3A_135 = tpu.memref_slice %arg10[%dma_start3A_133, %dma_start3A_134] : memref<10240x16xf32, #tpu.memory_space<vmem_shared>> -> memref<10240x16xf32, #tpu.memory_space<vmem_shared>>
      tpu.enqueue_indirect_dma source(%dma_start3A_129 : memref<125x16xf32, #tpu.memory_space<vmem>>) target(%dma_start3A_135 : memref<10240x16xf32, #tpu.memory_space<vmem_shared>>) offsets(%dma_start3A_132 : memref<125xi32, #tpu.memory_space<vmem>>) semaphore(%arg12 : memref<!tpu.dma_semaphore, #tpu.memory_space<semaphore_mem>>) {add = true}
      %dma_start3A_136 = arith.constant 0 : i32
      %dma_start3A_137 = tpu.memref_slice %arg6[%add3A_125, %dma_start3A_136] : memref<40x125xi32, #tpu.memory_space<vmem>> -> memref<1x125xi32, #tpu.memory_space<vmem>>
      %dma_start3A_138 = tpu.memref_squeeze %dma_start3A_137 : memref<1x125xi32, #tpu.memory_space<vmem>> -> memref<125xi32, #tpu.memory_space<vmem>>
      %dma_start3A_139 = arith.constant 0 : i32
      %dma_start3A_140 = arith.constant 0 : i32
      %dma_start3A_141 = tpu.memref_slice %arg11[%dma_start3A_139, %dma_start3A_140] : memref<10240x16xf32, #tpu.memory_space<vmem_shared>> -> memref<10240x16xf32, #tpu.memory_space<vmem_shared>>
      tpu.enqueue_indirect_dma source(%arg9 : memref<125x16xf32, #tpu.memory_space<vmem>>) target(%dma_start3A_141 : memref<10240x16xf32, #tpu.memory_space<vmem_shared>>) offsets(%dma_start3A_138 : memref<125xi32, #tpu.memory_space<vmem>>) semaphore(%arg13 : memref<!tpu.dma_semaphore, #tpu.memory_space<semaphore_mem>>) {add = true}
      %mul3A_142 = arith.constant 20 : i32
      %mul3A_143 = arith.muli %scan3A_81, %mul3A_142 : i32
      %add3A_144 = arith.constant 3 : i32
      %add3A_145 = arith.addi %mul3A_143, %add3A_144 : i32
      %mul3A_146 = arith.constant 125 : i32
      %mul3A_147 = arith.muli %add3A_145, %mul3A_146 : i32
      %dma_start3A_148 = arith.constant 0 : i32
      %dma_start3A_149 = tpu.memref_slice %arg7[%mul3A_147, %dma_start3A_148] : memref<5000x16xf32, #tpu.memory_space<vmem>> -> memref<125x16xf32, #tpu.memory_space<vmem>>
      %dma_start3A_150 = arith.constant 0 : i32
      %dma_start3A_151 = tpu.memref_slice %arg6[%add3A_145, %dma_start3A_150] : memref<40x125xi32, #tpu.memory_space<vmem>> -> memref<1x125xi32, #tpu.memory_space<vmem>>
      %dma_start3A_152 = tpu.memref_squeeze %dma_start3A_151 : memref<1x125xi32, #tpu.memory_space<vmem>> -> memref<125xi32, #tpu.memory_space<vmem>>
      %dma_start3A_153 = arith.constant 0 : i32
      %dma_start3A_154 = arith.constant 0 : i32
      %dma_start3A_155 = tpu.memref_slice %arg10[%dma_start3A_153, %dma_start3A_154] : memref<10240x16xf32, #tpu.memory_space<vmem_shared>> -> memref<10240x16xf32, #tpu.memory_space<vmem_shared>>
      tpu.enqueue_indirect_dma source(%dma_start3A_149 : memref<125x16xf32, #tpu.memory_space<vmem>>) target(%dma_start3A_155 : memref<10240x16xf32, #tpu.memory_space<vmem_shared>>) offsets(%dma_start3A_152 : memref<125xi32, #tpu.memory_space<vmem>>) semaphore(%arg12 : memref<!tpu.dma_semaphore, #tpu.memory_space<semaphore_mem>>) {add = true}
      %dma_start3A_156 = arith.constant 0 : i32
      %dma_start3A_157 = tpu.memref_slice %arg6[%add3A_145, %dma_start3A_156] : memref<40x125xi32, #tpu.memory_space<vmem>> -> memref<1x125xi32, #tpu.memory_space<vmem>>
      %dma_start3A_158 = tpu.memref_squeeze %dma_start3A_157 : memref<1x125xi32, #tpu.memory_space<vmem>> -> memref<125xi32, #tpu.memory_space<vmem>>
      %dma_start3A_159 = arith.constant 0 : i32
      %dma_start3A_160 = arith.constant 0 : i32
      %dma_start3A_161 = tpu.memref_slice %arg11[%dma_start3A_159, %dma_start3A_160] : memref<10240x16xf32, #tpu.memory_space<vmem_shared>> -> memref<10240x16xf32, #tpu.memory_space<vmem_shared>>
      tpu.enqueue_indirect_dma source(%arg9 : memref<125x16xf32, #tpu.memory_space<vmem>>) target(%dma_start3A_161 : memref<10240x16xf32, #tpu.memory_space<vmem_shared>>) offsets(%dma_start3A_158 : memref<125xi32, #tpu.memory_space<vmem>>) semaphore(%arg13 : memref<!tpu.dma_semaphore, #tpu.memory_space<semaphore_mem>>) {add = true}
      %mul3A_162 = arith.constant 20 : i32
      %mul3A_163 = arith.muli %scan3A_81, %mul3A_162 : i32
      %add3A_164 = arith.constant 4 : i32
      %add3A_165 = arith.addi %mul3A_163, %add3A_164 : i32
      %mul3A_166 = arith.constant 125 : i32
      %mul3A_167 = arith.muli %add3A_165, %mul3A_166 : i32
      %dma_start3A_168 = arith.constant 0 : i32
      %dma_start3A_169 = tpu.memref_slice %arg7[%mul3A_167, %dma_start3A_168] : memref<5000x16xf32, #tpu.memory_space<vmem>> -> memref<125x16xf32, #tpu.memory_space<vmem>>
      %dma_start3A_170 = arith.constant 0 : i32
      %dma_start3A_171 = tpu.memref_slice %arg6[%add3A_165, %dma_start3A_170] : memref<40x125xi32, #tpu.memory_space<vmem>> -> memref<1x125xi32, #tpu.memory_space<vmem>>
      %dma_start3A_172 = tpu.memref_squeeze %dma_start3A_171 : memref<1x125xi32, #tpu.memory_space<vmem>> -> memref<125xi32, #tpu.memory_space<vmem>>
      %dma_start3A_173 = arith.constant 0 : i32
      %dma_start3A_174 = arith.constant 0 : i32
      %dma_start3A_175 = tpu.memref_slice %arg10[%dma_start3A_173, %dma_start3A_174] : memref<10240x16xf32, #tpu.memory_space<vmem_shared>> -> memref<10240x16xf32, #tpu.memory_space<vmem_shared>>
      tpu.enqueue_indirect_dma source(%dma_start3A_169 : memref<125x16xf32, #tpu.memory_space<vmem>>) target(%dma_start3A_175 : memref<10240x16xf32, #tpu.memory_space<vmem_shared>>) offsets(%dma_start3A_172 : memref<125xi32, #tpu.memory_space<vmem>>) semaphore(%arg12 : memref<!tpu.dma_semaphore, #tpu.memory_space<semaphore_mem>>) {add = true}
      %dma_start3A_176 = arith.constant 0 : i32
      %dma_start3A_177 = tpu.memref_slice %arg6[%add3A_165, %dma_start3A_176] : memref<40x125xi32, #tpu.memory_space<vmem>> -> memref<1x125xi32, #tpu.memory_space<vmem>>
      %dma_start3A_178 = tpu.memref_squeeze %dma_start3A_177 : memref<1x125xi32, #tpu.memory_space<vmem>> -> memref<125xi32, #tpu.memory_space<vmem>>
      %dma_start3A_179 = arith.constant 0 : i32
      %dma_start3A_180 = arith.constant 0 : i32
      %dma_start3A_181 = tpu.memref_slice %arg11[%dma_start3A_179, %dma_start3A_180] : memref<10240x16xf32, #tpu.memory_space<vmem_shared>> -> memref<10240x16xf32, #tpu.memory_space<vmem_shared>>
      tpu.enqueue_indirect_dma source(%arg9 : memref<125x16xf32, #tpu.memory_space<vmem>>) target(%dma_start3A_181 : memref<10240x16xf32, #tpu.memory_space<vmem_shared>>) offsets(%dma_start3A_178 : memref<125xi32, #tpu.memory_space<vmem>>) semaphore(%arg13 : memref<!tpu.dma_semaphore, #tpu.memory_space<semaphore_mem>>) {add = true}
      %mul3A_182 = arith.constant 20 : i32
      %mul3A_183 = arith.muli %scan3A_81, %mul3A_182 : i32
      %add3A_184 = arith.constant 5 : i32
      %add3A_185 = arith.addi %mul3A_183, %add3A_184 : i32
      %mul3A_186 = arith.constant 125 : i32
      %mul3A_187 = arith.muli %add3A_185, %mul3A_186 : i32
      %dma_start3A_188 = arith.constant 0 : i32
      %dma_start3A_189 = tpu.memref_slice %arg7[%mul3A_187, %dma_start3A_188] : memref<5000x16xf32, #tpu.memory_space<vmem>> -> memref<125x16xf32, #tpu.memory_space<vmem>>
      %dma_start3A_190 = arith.constant 0 : i32
      %dma_start3A_191 = tpu.memref_slice %arg6[%add3A_185, %dma_start3A_190] : memref<40x125xi32, #tpu.memory_space<vmem>> -> memref<1x125xi32, #tpu.memory_space<vmem>>
      %dma_start3A_192 = tpu.memref_squeeze %dma_start3A_191 : memref<1x125xi32, #tpu.memory_space<vmem>> -> memref<125xi32, #tpu.memory_space<vmem>>
      %dma_start3A_193 = arith.constant 0 : i32
      %dma_start3A_194 = arith.constant 0 : i32
      %dma_start3A_195 = tpu.memref_slice %arg10[%dma_start3A_193, %dma_start3A_194] : memref<10240x16xf32, #tpu.memory_space<vmem_shared>> -> memref<10240x16xf32, #tpu.memory_space<vmem_shared>>
      tpu.enqueue_indirect_dma source(%dma_start3A_189 : memref<125x16xf32, #tpu.memory_space<vmem>>) target(%dma_start3A_195 : memref<10240x16xf32, #tpu.memory_space<vmem_shared>>) offsets(%dma_start3A_192 : memref<125xi32, #tpu.memory_space<vmem>>) semaphore(%arg12 : memref<!tpu.dma_semaphore, #tpu.memory_space<semaphore_mem>>) {add = true}
      %dma_start3A_196 = arith.constant 0 : i32
      %dma_start3A_197 = tpu.memref_slice %arg6[%add3A_185, %dma_start3A_196] : memref<40x125xi32, #tpu.memory_space<vmem>> -> memref<1x125xi32, #tpu.memory_space<vmem>>
      %dma_start3A_198 = tpu.memref_squeeze %dma_start3A_197 : memref<1x125xi32, #tpu.memory_space<vmem>> -> memref<125xi32, #tpu.memory_space<vmem>>
      %dma_start3A_199 = arith.constant 0 : i32
      %dma_start3A_200 = arith.constant 0 : i32
      %dma_start3A_201 = tpu.memref_slice %arg11[%dma_start3A_199, %dma_start3A_200] : memref<10240x16xf32, #tpu.memory_space<vmem_shared>> -> memref<10240x16xf32, #tpu.memory_space<vmem_shared>>
      tpu.enqueue_indirect_dma source(%arg9 : memref<125x16xf32, #tpu.memory_space<vmem>>) target(%dma_start3A_201 : memref<10240x16xf32, #tpu.memory_space<vmem_shared>>) offsets(%dma_start3A_198 : memref<125xi32, #tpu.memory_space<vmem>>) semaphore(%arg13 : memref<!tpu.dma_semaphore, #tpu.memory_space<semaphore_mem>>) {add = true}
      %mul3A_202 = arith.constant 20 : i32
      %mul3A_203 = arith.muli %scan3A_81, %mul3A_202 : i32
      %add3A_204 = arith.constant 6 : i32
      %add3A_205 = arith.addi %mul3A_203, %add3A_204 : i32
      %mul3A_206 = arith.constant 125 : i32
      %mul3A_207 = arith.muli %add3A_205, %mul3A_206 : i32
      %dma_start3A_208 = arith.constant 0 : i32
      %dma_start3A_209 = tpu.memref_slice %arg7[%mul3A_207, %dma_start3A_208] : memref<5000x16xf32, #tpu.memory_space<vmem>> -> memref<125x16xf32, #tpu.memory_space<vmem>>
      %dma_start3A_210 = arith.constant 0 : i32
      %dma_start3A_211 = tpu.memref_slice %arg6[%add3A_205, %dma_start3A_210] : memref<40x125xi32, #tpu.memory_space<vmem>> -> memref<1x125xi32, #tpu.memory_space<vmem>>
      %dma_start3A_212 = tpu.memref_squeeze %dma_start3A_211 : memref<1x125xi32, #tpu.memory_space<vmem>> -> memref<125xi32, #tpu.memory_space<vmem>>
      %dma_start3A_213 = arith.constant 0 : i32
      %dma_start3A_214 = arith.constant 0 : i32
      %dma_start3A_215 = tpu.memref_slice %arg10[%dma_start3A_213, %dma_start3A_214] : memref<10240x16xf32, #tpu.memory_space<vmem_shared>> -> memref<10240x16xf32, #tpu.memory_space<vmem_shared>>
      tpu.enqueue_indirect_dma source(%dma_start3A_209 : memref<125x16xf32, #tpu.memory_space<vmem>>) target(%dma_start3A_215 : memref<10240x16xf32, #tpu.memory_space<vmem_shared>>) offsets(%dma_start3A_212 : memref<125xi32, #tpu.memory_space<vmem>>) semaphore(%arg12 : memref<!tpu.dma_semaphore, #tpu.memory_space<semaphore_mem>>) {add = true}
      %dma_start3A_216 = arith.constant 0 : i32
      %dma_start3A_217 = tpu.memref_slice %arg6[%add3A_205, %dma_start3A_216] : memref<40x125xi32, #tpu.memory_space<vmem>> -> memref<1x125xi32, #tpu.memory_space<vmem>>
      %dma_start3A_218 = tpu.memref_squeeze %dma_start3A_217 : memref<1x125xi32, #tpu.memory_space<vmem>> -> memref<125xi32, #tpu.memory_space<vmem>>
      %dma_start3A_219 = arith.constant 0 : i32
      %dma_start3A_220 = arith.constant 0 : i32
      %dma_start3A_221 = tpu.memref_slice %arg11[%dma_start3A_219, %dma_start3A_220] : memref<10240x16xf32, #tpu.memory_space<vmem_shared>> -> memref<10240x16xf32, #tpu.memory_space<vmem_shared>>
      tpu.enqueue_indirect_dma source(%arg9 : memref<125x16xf32, #tpu.memory_space<vmem>>) target(%dma_start3A_221 : memref<10240x16xf32, #tpu.memory_space<vmem_shared>>) offsets(%dma_start3A_218 : memref<125xi32, #tpu.memory_space<vmem>>) semaphore(%arg13 : memref<!tpu.dma_semaphore, #tpu.memory_space<semaphore_mem>>) {add = true}
      %mul3A_222 = arith.constant 20 : i32
      %mul3A_223 = arith.muli %scan3A_81, %mul3A_222 : i32
      %add3A_224 = arith.constant 7 : i32
      %add3A_225 = arith.addi %mul3A_223, %add3A_224 : i32
      %mul3A_226 = arith.constant 125 : i32
      %mul3A_227 = arith.muli %add3A_225, %mul3A_226 : i32
      %dma_start3A_228 = arith.constant 0 : i32
      %dma_start3A_229 = tpu.memref_slice %arg7[%mul3A_227, %dma_start3A_228] : memref<5000x16xf32, #tpu.memory_space<vmem>> -> memref<125x16xf32, #tpu.memory_space<vmem>>
      %dma_start3A_230 = arith.constant 0 : i32
      %dma_start3A_231 = tpu.memref_slice %arg6[%add3A_225, %dma_start3A_230] : memref<40x125xi32, #tpu.memory_space<vmem>> -> memref<1x125xi32, #tpu.memory_space<vmem>>
      %dma_start3A_232 = tpu.memref_squeeze %dma_start3A_231 : memref<1x125xi32, #tpu.memory_space<vmem>> -> memref<125xi32, #tpu.memory_space<vmem>>
      %dma_start3A_233 = arith.constant 0 : i32
      %dma_start3A_234 = arith.constant 0 : i32
      %dma_start3A_235 = tpu.memref_slice %arg10[%dma_start3A_233, %dma_start3A_234] : memref<10240x16xf32, #tpu.memory_space<vmem_shared>> -> memref<10240x16xf32, #tpu.memory_space<vmem_shared>>
      tpu.enqueue_indirect_dma source(%dma_start3A_229 : memref<125x16xf32, #tpu.memory_space<vmem>>) target(%dma_start3A_235 : memref<10240x16xf32, #tpu.memory_space<vmem_shared>>) offsets(%dma_start3A_232 : memref<125xi32, #tpu.memory_space<vmem>>) semaphore(%arg12 : memref<!tpu.dma_semaphore, #tpu.memory_space<semaphore_mem>>) {add = true}
      %dma_start3A_236 = arith.constant 0 : i32
      %dma_start3A_237 = tpu.memref_slice %arg6[%add3A_225, %dma_start3A_236] : memref<40x125xi32, #tpu.memory_space<vmem>> -> memref<1x125xi32, #tpu.memory_space<vmem>>
      %dma_start3A_238 = tpu.memref_squeeze %dma_start3A_237 : memref<1x125xi32, #tpu.memory_space<vmem>> -> memref<125xi32, #tpu.memory_space<vmem>>
      %dma_start3A_239 = arith.constant 0 : i32
      %dma_start3A_240 = arith.constant 0 : i32
      %dma_start3A_241 = tpu.memref_slice %arg11[%dma_start3A_239, %dma_start3A_240] : memref<10240x16xf32, #tpu.memory_space<vmem_shared>> -> memref<10240x16xf32, #tpu.memory_space<vmem_shared>>
      tpu.enqueue_indirect_dma source(%arg9 : memref<125x16xf32, #tpu.memory_space<vmem>>) target(%dma_start3A_241 : memref<10240x16xf32, #tpu.memory_space<vmem_shared>>) offsets(%dma_start3A_238 : memref<125xi32, #tpu.memory_space<vmem>>) semaphore(%arg13 : memref<!tpu.dma_semaphore, #tpu.memory_space<semaphore_mem>>) {add = true}
      %mul3A_242 = arith.constant 20 : i32
      %mul3A_243 = arith.muli %scan3A_81, %mul3A_242 : i32
      %add3A_244 = arith.constant 8 : i32
      %add3A_245 = arith.addi %mul3A_243, %add3A_244 : i32
      %mul3A_246 = arith.constant 125 : i32
      %mul3A_247 = arith.muli %add3A_245, %mul3A_246 : i32
      %dma_start3A_248 = arith.constant 0 : i32
      %dma_start3A_249 = tpu.memref_slice %arg7[%mul3A_247, %dma_start3A_248] : memref<5000x16xf32, #tpu.memory_space<vmem>> -> memref<125x16xf32, #tpu.memory_space<vmem>>
      %dma_start3A_250 = arith.constant 0 : i32
      %dma_start3A_251 = tpu.memref_slice %arg6[%add3A_245, %dma_start3A_250] : memref<40x125xi32, #tpu.memory_space<vmem>> -> memref<1x125xi32, #tpu.memory_space<vmem>>
      %dma_start3A_252 = tpu.memref_squeeze %dma_start3A_251 : memref<1x125xi32, #tpu.memory_space<vmem>> -> memref<125xi32, #tpu.memory_space<vmem>>
      %dma_start3A_253 = arith.constant 0 : i32
      %dma_start3A_254 = arith.constant 0 : i32
      %dma_start3A_255 = tpu.memref_slice %arg10[%dma_start3A_253, %dma_start3A_254] : memref<10240x16xf32, #tpu.memory_space<vmem_shared>> -> memref<10240x16xf32, #tpu.memory_space<vmem_shared>>
      tpu.enqueue_indirect_dma source(%dma_start3A_249 : memref<125x16xf32, #tpu.memory_space<vmem>>) target(%dma_start3A_255 : memref<10240x16xf32, #tpu.memory_space<vmem_shared>>) offsets(%dma_start3A_252 : memref<125xi32, #tpu.memory_space<vmem>>) semaphore(%arg12 : memref<!tpu.dma_semaphore, #tpu.memory_space<semaphore_mem>>) {add = true}
      %dma_start3A_256 = arith.constant 0 : i32
      %dma_start3A_257 = tpu.memref_slice %arg6[%add3A_245, %dma_start3A_256] : memref<40x125xi32, #tpu.memory_space<vmem>> -> memref<1x125xi32, #tpu.memory_space<vmem>>
      %dma_start3A_258 = tpu.memref_squeeze %dma_start3A_257 : memref<1x125xi32, #tpu.memory_space<vmem>> -> memref<125xi32, #tpu.memory_space<vmem>>
      %dma_start3A_259 = arith.constant 0 : i32
      %dma_start3A_260 = arith.constant 0 : i32
      %dma_start3A_261 = tpu.memref_slice %arg11[%dma_start3A_259, %dma_start3A_260] : memref<10240x16xf32, #tpu.memory_space<vmem_shared>> -> memref<10240x16xf32, #tpu.memory_space<vmem_shared>>
      tpu.enqueue_indirect_dma source(%arg9 : memref<125x16xf32, #tpu.memory_space<vmem>>) target(%dma_start3A_261 : memref<10240x16xf32, #tpu.memory_space<vmem_shared>>) offsets(%dma_start3A_258 : memref<125xi32, #tpu.memory_space<vmem>>) semaphore(%arg13 : memref<!tpu.dma_semaphore, #tpu.memory_space<semaphore_mem>>) {add = true}
      %mul3A_262 = arith.constant 20 : i32
      %mul3A_263 = arith.muli %scan3A_81, %mul3A_262 : i32
      %add3A_264 = arith.constant 9 : i32
      %add3A_265 = arith.addi %mul3A_263, %add3A_264 : i32
      %mul3A_266 = arith.constant 125 : i32
      %mul3A_267 = arith.muli %add3A_265, %mul3A_266 : i32
      %dma_start3A_268 = arith.constant 0 : i32
      %dma_start3A_269 = tpu.memref_slice %arg7[%mul3A_267, %dma_start3A_268] : memref<5000x16xf32, #tpu.memory_space<vmem>> -> memref<125x16xf32, #tpu.memory_space<vmem>>
      %dma_start3A_270 = arith.constant 0 : i32
      %dma_start3A_271 = tpu.memref_slice %arg6[%add3A_265, %dma_start3A_270] : memref<40x125xi32, #tpu.memory_space<vmem>> -> memref<1x125xi32, #tpu.memory_space<vmem>>
      %dma_start3A_272 = tpu.memref_squeeze %dma_start3A_271 : memref<1x125xi32, #tpu.memory_space<vmem>> -> memref<125xi32, #tpu.memory_space<vmem>>
      %dma_start3A_273 = arith.constant 0 : i32
      %dma_start3A_274 = arith.constant 0 : i32
      %dma_start3A_275 = tpu.memref_slice %arg10[%dma_start3A_273, %dma_start3A_274] : memref<10240x16xf32, #tpu.memory_space<vmem_shared>> -> memref<10240x16xf32, #tpu.memory_space<vmem_shared>>
      tpu.enqueue_indirect_dma source(%dma_start3A_269 : memref<125x16xf32, #tpu.memory_space<vmem>>) target(%dma_start3A_275 : memref<10240x16xf32, #tpu.memory_space<vmem_shared>>) offsets(%dma_start3A_272 : memref<125xi32, #tpu.memory_space<vmem>>) semaphore(%arg12 : memref<!tpu.dma_semaphore, #tpu.memory_space<semaphore_mem>>) {add = true}
      %dma_start3A_276 = arith.constant 0 : i32
      %dma_start3A_277 = tpu.memref_slice %arg6[%add3A_265, %dma_start3A_276] : memref<40x125xi32, #tpu.memory_space<vmem>> -> memref<1x125xi32, #tpu.memory_space<vmem>>
      %dma_start3A_278 = tpu.memref_squeeze %dma_start3A_277 : memref<1x125xi32, #tpu.memory_space<vmem>> -> memref<125xi32, #tpu.memory_space<vmem>>
      %dma_start3A_279 = arith.constant 0 : i32
      %dma_start3A_280 = arith.constant 0 : i32
      %dma_start3A_281 = tpu.memref_slice %arg11[%dma_start3A_279, %dma_start3A_280] : memref<10240x16xf32, #tpu.memory_space<vmem_shared>> -> memref<10240x16xf32, #tpu.memory_space<vmem_shared>>
      tpu.enqueue_indirect_dma source(%arg9 : memref<125x16xf32, #tpu.memory_space<vmem>>) target(%dma_start3A_281 : memref<10240x16xf32, #tpu.memory_space<vmem_shared>>) offsets(%dma_start3A_278 : memref<125xi32, #tpu.memory_space<vmem>>) semaphore(%arg13 : memref<!tpu.dma_semaphore, #tpu.memory_space<semaphore_mem>>) {add = true}
      %mul3A_282 = arith.constant 20 : i32
      %mul3A_283 = arith.muli %scan3A_81, %mul3A_282 : i32
      %add3A_284 = arith.constant 10 : i32
      %add3A_285 = arith.addi %mul3A_283, %add3A_284 : i32
      %mul3A_286 = arith.constant 125 : i32
      %mul3A_287 = arith.muli %add3A_285, %mul3A_286 : i32
      %dma_start3A_288 = arith.constant 0 : i32
      %dma_start3A_289 = tpu.memref_slice %arg7[%mul3A_287, %dma_start3A_288] : memref<5000x16xf32, #tpu.memory_space<vmem>> -> memref<125x16xf32, #tpu.memory_space<vmem>>
      %dma_start3A_290 = arith.constant 0 : i32
      %dma_start3A_291 = tpu.memref_slice %arg6[%add3A_285, %dma_start3A_290] : memref<40x125xi32, #tpu.memory_space<vmem>> -> memref<1x125xi32, #tpu.memory_space<vmem>>
      %dma_start3A_292 = tpu.memref_squeeze %dma_start3A_291 : memref<1x125xi32, #tpu.memory_space<vmem>> -> memref<125xi32, #tpu.memory_space<vmem>>
      %dma_start3A_293 = arith.constant 0 : i32
      %dma_start3A_294 = arith.constant 0 : i32
      %dma_start3A_295 = tpu.memref_slice %arg10[%dma_start3A_293, %dma_start3A_294] : memref<10240x16xf32, #tpu.memory_space<vmem_shared>> -> memref<10240x16xf32, #tpu.memory_space<vmem_shared>>
      tpu.enqueue_indirect_dma source(%dma_start3A_289 : memref<125x16xf32, #tpu.memory_space<vmem>>) target(%dma_start3A_295 : memref<10240x16xf32, #tpu.memory_space<vmem_shared>>) offsets(%dma_start3A_292 : memref<125xi32, #tpu.memory_space<vmem>>) semaphore(%arg12 : memref<!tpu.dma_semaphore, #tpu.memory_space<semaphore_mem>>) {add = true}
      %dma_start3A_296 = arith.constant 0 : i32
      %dma_start3A_297 = tpu.memref_slice %arg6[%add3A_285, %dma_start3A_296] : memref<40x125xi32, #tpu.memory_space<vmem>> -> memref<1x125xi32, #tpu.memory_space<vmem>>
      %dma_start3A_298 = tpu.memref_squeeze %dma_start3A_297 : memref<1x125xi32, #tpu.memory_space<vmem>> -> memref<125xi32, #tpu.memory_space<vmem>>
      %dma_start3A_299 = arith.constant 0 : i32
      %dma_start3A_300 = arith.constant 0 : i32
      %dma_start3A_301 = tpu.memref_slice %arg11[%dma_start3A_299, %dma_start3A_300] : memref<10240x16xf32, #tpu.memory_space<vmem_shared>> -> memref<10240x16xf32, #tpu.memory_space<vmem_shared>>
      tpu.enqueue_indirect_dma source(%arg9 : memref<125x16xf32, #tpu.memory_space<vmem>>) target(%dma_start3A_301 : memref<10240x16xf32, #tpu.memory_space<vmem_shared>>) offsets(%dma_start3A_298 : memref<125xi32, #tpu.memory_space<vmem>>) semaphore(%arg13 : memref<!tpu.dma_semaphore, #tpu.memory_space<semaphore_mem>>) {add = true}
      %mul3A_302 = arith.constant 20 : i32
      %mul3A_303 = arith.muli %scan3A_81, %mul3A_302 : i32
      %add3A_304 = arith.constant 11 : i32
      %add3A_305 = arith.addi %mul3A_303, %add3A_304 : i32
      %mul3A_306 = arith.constant 125 : i32
      %mul3A_307 = arith.muli %add3A_305, %mul3A_306 : i32
      %dma_start3A_308 = arith.constant 0 : i32
      %dma_start3A_309 = tpu.memref_slice %arg7[%mul3A_307, %dma_start3A_308] : memref<5000x16xf32, #tpu.memory_space<vmem>> -> memref<125x16xf32, #tpu.memory_space<vmem>>
      %dma_start3A_310 = arith.constant 0 : i32
      %dma_start3A_311 = tpu.memref_slice %arg6[%add3A_305, %dma_start3A_310] : memref<40x125xi32, #tpu.memory_space<vmem>> -> memref<1x125xi32, #tpu.memory_space<vmem>>
      %dma_start3A_312 = tpu.memref_squeeze %dma_start3A_311 : memref<1x125xi32, #tpu.memory_space<vmem>> -> memref<125xi32, #tpu.memory_space<vmem>>
      %dma_start3A_313 = arith.constant 0 : i32
      %dma_start3A_314 = arith.constant 0 : i32
      %dma_start3A_315 = tpu.memref_slice %arg10[%dma_start3A_313, %dma_start3A_314] : memref<10240x16xf32, #tpu.memory_space<vmem_shared>> -> memref<10240x16xf32, #tpu.memory_space<vmem_shared>>
      tpu.enqueue_indirect_dma source(%dma_start3A_309 : memref<125x16xf32, #tpu.memory_space<vmem>>) target(%dma_start3A_315 : memref<10240x16xf32, #tpu.memory_space<vmem_shared>>) offsets(%dma_start3A_312 : memref<125xi32, #tpu.memory_space<vmem>>) semaphore(%arg12 : memref<!tpu.dma_semaphore, #tpu.memory_space<semaphore_mem>>) {add = true}
      %dma_start3A_316 = arith.constant 0 : i32
      %dma_start3A_317 = tpu.memref_slice %arg6[%add3A_305, %dma_start3A_316] : memref<40x125xi32, #tpu.memory_space<vmem>> -> memref<1x125xi32, #tpu.memory_space<vmem>>
      %dma_start3A_318 = tpu.memref_squeeze %dma_start3A_317 : memref<1x125xi32, #tpu.memory_space<vmem>> -> memref<125xi32, #tpu.memory_space<vmem>>
      %dma_start3A_319 = arith.constant 0 : i32
      %dma_start3A_320 = arith.constant 0 : i32
      %dma_start3A_321 = tpu.memref_slice %arg11[%dma_start3A_319, %dma_start3A_320] : memref<10240x16xf32, #tpu.memory_space<vmem_shared>> -> memref<10240x16xf32, #tpu.memory_space<vmem_shared>>
      tpu.enqueue_indirect_dma source(%arg9 : memref<125x16xf32, #tpu.memory_space<vmem>>) target(%dma_start3A_321 : memref<10240x16xf32, #tpu.memory_space<vmem_shared>>) offsets(%dma_start3A_318 : memref<125xi32, #tpu.memory_space<vmem>>) semaphore(%arg13 : memref<!tpu.dma_semaphore, #tpu.memory_space<semaphore_mem>>) {add = true}
      %mul3A_322 = arith.constant 20 : i32
      %mul3A_323 = arith.muli %scan3A_81, %mul3A_322 : i32
      %add3A_324 = arith.constant 12 : i32
      %add3A_325 = arith.addi %mul3A_323, %add3A_324 : i32
      %mul3A_326 = arith.constant 125 : i32
      %mul3A_327 = arith.muli %add3A_325, %mul3A_326 : i32
      %dma_start3A_328 = arith.constant 0 : i32
      %dma_start3A_329 = tpu.memref_slice %arg7[%mul3A_327, %dma_start3A_328] : memref<5000x16xf32, #tpu.memory_space<vmem>> -> memref<125x16xf32, #tpu.memory_space<vmem>>
      %dma_start3A_330 = arith.constant 0 : i32
      %dma_start3A_331 = tpu.memref_slice %arg6[%add3A_325, %dma_start3A_330] : memref<40x125xi32, #tpu.memory_space<vmem>> -> memref<1x125xi32, #tpu.memory_space<vmem>>
      %dma_start3A_332 = tpu.memref_squeeze %dma_start3A_331 : memref<1x125xi32, #tpu.memory_space<vmem>> -> memref<125xi32, #tpu.memory_space<vmem>>
      %dma_start3A_333 = arith.constant 0 : i32
      %dma_start3A_334 = arith.constant 0 : i32
      %dma_start3A_335 = tpu.memref_slice %arg10[%dma_start3A_333, %dma_start3A_334] : memref<10240x16xf32, #tpu.memory_space<vmem_shared>> -> memref<10240x16xf32, #tpu.memory_space<vmem_shared>>
      tpu.enqueue_indirect_dma source(%dma_start3A_329 : memref<125x16xf32, #tpu.memory_space<vmem>>) target(%dma_start3A_335 : memref<10240x16xf32, #tpu.memory_space<vmem_shared>>) offsets(%dma_start3A_332 : memref<125xi32, #tpu.memory_space<vmem>>) semaphore(%arg12 : memref<!tpu.dma_semaphore, #tpu.memory_space<semaphore_mem>>) {add = true}
      %dma_start3A_336 = arith.constant 0 : i32
      %dma_start3A_337 = tpu.memref_slice %arg6[%add3A_325, %dma_start3A_336] : memref<40x125xi32, #tpu.memory_space<vmem>> -> memref<1x125xi32, #tpu.memory_space<vmem>>
      %dma_start3A_338 = tpu.memref_squeeze %dma_start3A_337 : memref<1x125xi32, #tpu.memory_space<vmem>> -> memref<125xi32, #tpu.memory_space<vmem>>
      %dma_start3A_339 = arith.constant 0 : i32
      %dma_start3A_340 = arith.constant 0 : i32
      %dma_start3A_341 = tpu.memref_slice %arg11[%dma_start3A_339, %dma_start3A_340] : memref<10240x16xf32, #tpu.memory_space<vmem_shared>> -> memref<10240x16xf32, #tpu.memory_space<vmem_shared>>
      tpu.enqueue_indirect_dma source(%arg9 : memref<125x16xf32, #tpu.memory_space<vmem>>) target(%dma_start3A_341 : memref<10240x16xf32, #tpu.memory_space<vmem_shared>>) offsets(%dma_start3A_338 : memref<125xi32, #tpu.memory_space<vmem>>) semaphore(%arg13 : memref<!tpu.dma_semaphore, #tpu.memory_space<semaphore_mem>>) {add = true}
      %mul3A_342 = arith.constant 20 : i32
      %mul3A_343 = arith.muli %scan3A_81, %mul3A_342 : i32
      %add3A_344 = arith.constant 13 : i32
      %add3A_345 = arith.addi %mul3A_343, %add3A_344 : i32
      %mul3A_346 = arith.constant 125 : i32
      %mul3A_347 = arith.muli %add3A_345, %mul3A_346 : i32
      %dma_start3A_348 = arith.constant 0 : i32
      %dma_start3A_349 = tpu.memref_slice %arg7[%mul3A_347, %dma_start3A_348] : memref<5000x16xf32, #tpu.memory_space<vmem>> -> memref<125x16xf32, #tpu.memory_space<vmem>>
      %dma_start3A_350 = arith.constant 0 : i32
      %dma_start3A_351 = tpu.memref_slice %arg6[%add3A_345, %dma_start3A_350] : memref<40x125xi32, #tpu.memory_space<vmem>> -> memref<1x125xi32, #tpu.memory_space<vmem>>
      %dma_start3A_352 = tpu.memref_squeeze %dma_start3A_351 : memref<1x125xi32, #tpu.memory_space<vmem>> -> memref<125xi32, #tpu.memory_space<vmem>>
      %dma_start3A_353 = arith.constant 0 : i32
      %dma_start3A_354 = arith.constant 0 : i32
      %dma_start3A_355 = tpu.memref_slice %arg10[%dma_start3A_353, %dma_start3A_354] : memref<10240x16xf32, #tpu.memory_space<vmem_shared>> -> memref<10240x16xf32, #tpu.memory_space<vmem_shared>>
      tpu.enqueue_indirect_dma source(%dma_start3A_349 : memref<125x16xf32, #tpu.memory_space<vmem>>) target(%dma_start3A_355 : memref<10240x16xf32, #tpu.memory_space<vmem_shared>>) offsets(%dma_start3A_352 : memref<125xi32, #tpu.memory_space<vmem>>) semaphore(%arg12 : memref<!tpu.dma_semaphore, #tpu.memory_space<semaphore_mem>>) {add = true}
      %dma_start3A_356 = arith.constant 0 : i32
      %dma_start3A_357 = tpu.memref_slice %arg6[%add3A_345, %dma_start3A_356] : memref<40x125xi32, #tpu.memory_space<vmem>> -> memref<1x125xi32, #tpu.memory_space<vmem>>
      %dma_start3A_358 = tpu.memref_squeeze %dma_start3A_357 : memref<1x125xi32, #tpu.memory_space<vmem>> -> memref<125xi32, #tpu.memory_space<vmem>>
      %dma_start3A_359 = arith.constant 0 : i32
      %dma_start3A_360 = arith.constant 0 : i32
      %dma_start3A_361 = tpu.memref_slice %arg11[%dma_start3A_359, %dma_start3A_360] : memref<10240x16xf32, #tpu.memory_space<vmem_shared>> -> memref<10240x16xf32, #tpu.memory_space<vmem_shared>>
      tpu.enqueue_indirect_dma source(%arg9 : memref<125x16xf32, #tpu.memory_space<vmem>>) target(%dma_start3A_361 : memref<10240x16xf32, #tpu.memory_space<vmem_shared>>) offsets(%dma_start3A_358 : memref<125xi32, #tpu.memory_space<vmem>>) semaphore(%arg13 : memref<!tpu.dma_semaphore, #tpu.memory_space<semaphore_mem>>) {add = true}
      %mul3A_362 = arith.constant 20 : i32
      %mul3A_363 = arith.muli %scan3A_81, %mul3A_362 : i32
      %add3A_364 = arith.constant 14 : i32
      %add3A_365 = arith.addi %mul3A_363, %add3A_364 : i32
      %mul3A_366 = arith.constant 125 : i32
      %mul3A_367 = arith.muli %add3A_365, %mul3A_366 : i32
      %dma_start3A_368 = arith.constant 0 : i32
      %dma_start3A_369 = tpu.memref_slice %arg7[%mul3A_367, %dma_start3A_368] : memref<5000x16xf32, #tpu.memory_space<vmem>> -> memref<125x16xf32, #tpu.memory_space<vmem>>
      %dma_start3A_370 = arith.constant 0 : i32
      %dma_start3A_371 = tpu.memref_slice %arg6[%add3A_365, %dma_start3A_370] : memref<40x125xi32, #tpu.memory_space<vmem>> -> memref<1x125xi32, #tpu.memory_space<vmem>>
      %dma_start3A_372 = tpu.memref_squeeze %dma_start3A_371 : memref<1x125xi32, #tpu.memory_space<vmem>> -> memref<125xi32, #tpu.memory_space<vmem>>
      %dma_start3A_373 = arith.constant 0 : i32
      %dma_start3A_374 = arith.constant 0 : i32
      %dma_start3A_375 = tpu.memref_slice %arg10[%dma_start3A_373, %dma_start3A_374] : memref<10240x16xf32, #tpu.memory_space<vmem_shared>> -> memref<10240x16xf32, #tpu.memory_space<vmem_shared>>
      tpu.enqueue_indirect_dma source(%dma_start3A_369 : memref<125x16xf32, #tpu.memory_space<vmem>>) target(%dma_start3A_375 : memref<10240x16xf32, #tpu.memory_space<vmem_shared>>) offsets(%dma_start3A_372 : memref<125xi32, #tpu.memory_space<vmem>>) semaphore(%arg12 : memref<!tpu.dma_semaphore, #tpu.memory_space<semaphore_mem>>) {add = true}
      %dma_start3A_376 = arith.constant 0 : i32
      %dma_start3A_377 = tpu.memref_slice %arg6[%add3A_365, %dma_start3A_376] : memref<40x125xi32, #tpu.memory_space<vmem>> -> memref<1x125xi32, #tpu.memory_space<vmem>>
      %dma_start3A_378 = tpu.memref_squeeze %dma_start3A_377 : memref<1x125xi32, #tpu.memory_space<vmem>> -> memref<125xi32, #tpu.memory_space<vmem>>
      %dma_start3A_379 = arith.constant 0 : i32
      %dma_start3A_380 = arith.constant 0 : i32
      %dma_start3A_381 = tpu.memref_slice %arg11[%dma_start3A_379, %dma_start3A_380] : memref<10240x16xf32, #tpu.memory_space<vmem_shared>> -> memref<10240x16xf32, #tpu.memory_space<vmem_shared>>
      tpu.enqueue_indirect_dma source(%arg9 : memref<125x16xf32, #tpu.memory_space<vmem>>) target(%dma_start3A_381 : memref<10240x16xf32, #tpu.memory_space<vmem_shared>>) offsets(%dma_start3A_378 : memref<125xi32, #tpu.memory_space<vmem>>) semaphore(%arg13 : memref<!tpu.dma_semaphore, #tpu.memory_space<semaphore_mem>>) {add = true}
      %mul3A_382 = arith.constant 20 : i32
      %mul3A_383 = arith.muli %scan3A_81, %mul3A_382 : i32
      %add3A_384 = arith.constant 15 : i32
      %add3A_385 = arith.addi %mul3A_383, %add3A_384 : i32
      %mul3A_386 = arith.constant 125 : i32
      %mul3A_387 = arith.muli %add3A_385, %mul3A_386 : i32
      %dma_start3A_388 = arith.constant 0 : i32
      %dma_start3A_389 = tpu.memref_slice %arg7[%mul3A_387, %dma_start3A_388] : memref<5000x16xf32, #tpu.memory_space<vmem>> -> memref<125x16xf32, #tpu.memory_space<vmem>>
      %dma_start3A_390 = arith.constant 0 : i32
      %dma_start3A_391 = tpu.memref_slice %arg6[%add3A_385, %dma_start3A_390] : memref<40x125xi32, #tpu.memory_space<vmem>> -> memref<1x125xi32, #tpu.memory_space<vmem>>
      %dma_start3A_392 = tpu.memref_squeeze %dma_start3A_391 : memref<1x125xi32, #tpu.memory_space<vmem>> -> memref<125xi32, #tpu.memory_space<vmem>>
      %dma_start3A_393 = arith.constant 0 : i32
      %dma_start3A_394 = arith.constant 0 : i32
      %dma_start3A_395 = tpu.memref_slice %arg10[%dma_start3A_393, %dma_start3A_394] : memref<10240x16xf32, #tpu.memory_space<vmem_shared>> -> memref<10240x16xf32, #tpu.memory_space<vmem_shared>>
      tpu.enqueue_indirect_dma source(%dma_start3A_389 : memref<125x16xf32, #tpu.memory_space<vmem>>) target(%dma_start3A_395 : memref<10240x16xf32, #tpu.memory_space<vmem_shared>>) offsets(%dma_start3A_392 : memref<125xi32, #tpu.memory_space<vmem>>) semaphore(%arg12 : memref<!tpu.dma_semaphore, #tpu.memory_space<semaphore_mem>>) {add = true}
      %dma_start3A_396 = arith.constant 0 : i32
      %dma_start3A_397 = tpu.memref_slice %arg6[%add3A_385, %dma_start3A_396] : memref<40x125xi32, #tpu.memory_space<vmem>> -> memref<1x125xi32, #tpu.memory_space<vmem>>
      %dma_start3A_398 = tpu.memref_squeeze %dma_start3A_397 : memref<1x125xi32, #tpu.memory_space<vmem>> -> memref<125xi32, #tpu.memory_space<vmem>>
      %dma_start3A_399 = arith.constant 0 : i32
      %dma_start3A_400 = arith.constant 0 : i32
      %dma_start3A_401 = tpu.memref_slice %arg11[%dma_start3A_399, %dma_start3A_400] : memref<10240x16xf32, #tpu.memory_space<vmem_shared>> -> memref<10240x16xf32, #tpu.memory_space<vmem_shared>>
      tpu.enqueue_indirect_dma source(%arg9 : memref<125x16xf32, #tpu.memory_space<vmem>>) target(%dma_start3A_401 : memref<10240x16xf32, #tpu.memory_space<vmem_shared>>) offsets(%dma_start3A_398 : memref<125xi32, #tpu.memory_space<vmem>>) semaphore(%arg13 : memref<!tpu.dma_semaphore, #tpu.memory_space<semaphore_mem>>) {add = true}
      %mul3A_402 = arith.constant 20 : i32
      %mul3A_403 = arith.muli %scan3A_81, %mul3A_402 : i32
      %add3A_404 = arith.constant 16 : i32
      %add3A_405 = arith.addi %mul3A_403, %add3A_404 : i32
      %mul3A_406 = arith.constant 125 : i32
      %mul3A_407 = arith.muli %add3A_405, %mul3A_406 : i32
      %dma_start3A_408 = arith.constant 0 : i32
      %dma_start3A_409 = tpu.memref_slice %arg7[%mul3A_407, %dma_start3A_408] : memref<5000x16xf32, #tpu.memory_space<vmem>> -> memref<125x16xf32, #tpu.memory_space<vmem>>
      %dma_start3A_410 = arith.constant 0 : i32
      %dma_start3A_411 = tpu.memref_slice %arg6[%add3A_405, %dma_start3A_410] : memref<40x125xi32, #tpu.memory_space<vmem>> -> memref<1x125xi32, #tpu.memory_space<vmem>>
      %dma_start3A_412 = tpu.memref_squeeze %dma_start3A_411 : memref<1x125xi32, #tpu.memory_space<vmem>> -> memref<125xi32, #tpu.memory_space<vmem>>
      %dma_start3A_413 = arith.constant 0 : i32
      %dma_start3A_414 = arith.constant 0 : i32
      %dma_start3A_415 = tpu.memref_slice %arg10[%dma_start3A_413, %dma_start3A_414] : memref<10240x16xf32, #tpu.memory_space<vmem_shared>> -> memref<10240x16xf32, #tpu.memory_space<vmem_shared>>
      tpu.enqueue_indirect_dma source(%dma_start3A_409 : memref<125x16xf32, #tpu.memory_space<vmem>>) target(%dma_start3A_415 : memref<10240x16xf32, #tpu.memory_space<vmem_shared>>) offsets(%dma_start3A_412 : memref<125xi32, #tpu.memory_space<vmem>>) semaphore(%arg12 : memref<!tpu.dma_semaphore, #tpu.memory_space<semaphore_mem>>) {add = true}
      %dma_start3A_416 = arith.constant 0 : i32
      %dma_start3A_417 = tpu.memref_slice %arg6[%add3A_405, %dma_start3A_416] : memref<40x125xi32, #tpu.memory_space<vmem>> -> memref<1x125xi32, #tpu.memory_space<vmem>>
      %dma_start3A_418 = tpu.memref_squeeze %dma_start3A_417 : memref<1x125xi32, #tpu.memory_space<vmem>> -> memref<125xi32, #tpu.memory_space<vmem>>
      %dma_start3A_419 = arith.constant 0 : i32
      %dma_start3A_420 = arith.constant 0 : i32
      %dma_start3A_421 = tpu.memref_slice %arg11[%dma_start3A_419, %dma_start3A_420] : memref<10240x16xf32, #tpu.memory_space<vmem_shared>> -> memref<10240x16xf32, #tpu.memory_space<vmem_shared>>
      tpu.enqueue_indirect_dma source(%arg9 : memref<125x16xf32, #tpu.memory_space<vmem>>) target(%dma_start3A_421 : memref<10240x16xf32, #tpu.memory_space<vmem_shared>>) offsets(%dma_start3A_418 : memref<125xi32, #tpu.memory_space<vmem>>) semaphore(%arg13 : memref<!tpu.dma_semaphore, #tpu.memory_space<semaphore_mem>>) {add = true}
      %mul3A_422 = arith.constant 20 : i32
      %mul3A_423 = arith.muli %scan3A_81, %mul3A_422 : i32
      %add3A_424 = arith.constant 17 : i32
      %add3A_425 = arith.addi %mul3A_423, %add3A_424 : i32
      %mul3A_426 = arith.constant 125 : i32
      %mul3A_427 = arith.muli %add3A_425, %mul3A_426 : i32
      %dma_start3A_428 = arith.constant 0 : i32
      %dma_start3A_429 = tpu.memref_slice %arg7[%mul3A_427, %dma_start3A_428] : memref<5000x16xf32, #tpu.memory_space<vmem>> -> memref<125x16xf32, #tpu.memory_space<vmem>>
      %dma_start3A_430 = arith.constant 0 : i32
      %dma_start3A_431 = tpu.memref_slice %arg6[%add3A_425, %dma_start3A_430] : memref<40x125xi32, #tpu.memory_space<vmem>> -> memref<1x125xi32, #tpu.memory_space<vmem>>
      %dma_start3A_432 = tpu.memref_squeeze %dma_start3A_431 : memref<1x125xi32, #tpu.memory_space<vmem>> -> memref<125xi32, #tpu.memory_space<vmem>>
      %dma_start3A_433 = arith.constant 0 : i32
      %dma_start3A_434 = arith.constant 0 : i32
      %dma_start3A_435 = tpu.memref_slice %arg10[%dma_start3A_433, %dma_start3A_434] : memref<10240x16xf32, #tpu.memory_space<vmem_shared>> -> memref<10240x16xf32, #tpu.memory_space<vmem_shared>>
      tpu.enqueue_indirect_dma source(%dma_start3A_429 : memref<125x16xf32, #tpu.memory_space<vmem>>) target(%dma_start3A_435 : memref<10240x16xf32, #tpu.memory_space<vmem_shared>>) offsets(%dma_start3A_432 : memref<125xi32, #tpu.memory_space<vmem>>) semaphore(%arg12 : memref<!tpu.dma_semaphore, #tpu.memory_space<semaphore_mem>>) {add = true}
      %dma_start3A_436 = arith.constant 0 : i32
      %dma_start3A_437 = tpu.memref_slice %arg6[%add3A_425, %dma_start3A_436] : memref<40x125xi32, #tpu.memory_space<vmem>> -> memref<1x125xi32, #tpu.memory_space<vmem>>
      %dma_start3A_438 = tpu.memref_squeeze %dma_start3A_437 : memref<1x125xi32, #tpu.memory_space<vmem>> -> memref<125xi32, #tpu.memory_space<vmem>>
      %dma_start3A_439 = arith.constant 0 : i32
      %dma_start3A_440 = arith.constant 0 : i32
      %dma_start3A_441 = tpu.memref_slice %arg11[%dma_start3A_439, %dma_start3A_440] : memref<10240x16xf32, #tpu.memory_space<vmem_shared>> -> memref<10240x16xf32, #tpu.memory_space<vmem_shared>>
      tpu.enqueue_indirect_dma source(%arg9 : memref<125x16xf32, #tpu.memory_space<vmem>>) target(%dma_start3A_441 : memref<10240x16xf32, #tpu.memory_space<vmem_shared>>) offsets(%dma_start3A_438 : memref<125xi32, #tpu.memory_space<vmem>>) semaphore(%arg13 : memref<!tpu.dma_semaphore, #tpu.memory_space<semaphore_mem>>) {add = true}
      %mul3A_442 = arith.constant 20 : i32
      %mul3A_443 = arith.muli %scan3A_81, %mul3A_442 : i32
      %add3A_444 = arith.constant 18 : i32
      %add3A_445 = arith.addi %mul3A_443, %add3A_444 : i32
      %mul3A_446 = arith.constant 125 : i32
      %mul3A_447 = arith.muli %add3A_445, %mul3A_446 : i32
      %dma_start3A_448 = arith.constant 0 : i32
      %dma_start3A_449 = tpu.memref_slice %arg7[%mul3A_447, %dma_start3A_448] : memref<5000x16xf32, #tpu.memory_space<vmem>> -> memref<125x16xf32, #tpu.memory_space<vmem>>
      %dma_start3A_450 = arith.constant 0 : i32
      %dma_start3A_451 = tpu.memref_slice %arg6[%add3A_445, %dma_start3A_450] : memref<40x125xi32, #tpu.memory_space<vmem>> -> memref<1x125xi32, #tpu.memory_space<vmem>>
      %dma_start3A_452 = tpu.memref_squeeze %dma_start3A_451 : memref<1x125xi32, #tpu.memory_space<vmem>> -> memref<125xi32, #tpu.memory_space<vmem>>
      %dma_start3A_453 = arith.constant 0 : i32
      %dma_start3A_454 = arith.constant 0 : i32
      %dma_start3A_455 = tpu.memref_slice %arg10[%dma_start3A_453, %dma_start3A_454] : memref<10240x16xf32, #tpu.memory_space<vmem_shared>> -> memref<10240x16xf32, #tpu.memory_space<vmem_shared>>
      tpu.enqueue_indirect_dma source(%dma_start3A_449 : memref<125x16xf32, #tpu.memory_space<vmem>>) target(%dma_start3A_455 : memref<10240x16xf32, #tpu.memory_space<vmem_shared>>) offsets(%dma_start3A_452 : memref<125xi32, #tpu.memory_space<vmem>>) semaphore(%arg12 : memref<!tpu.dma_semaphore, #tpu.memory_space<semaphore_mem>>) {add = true}
      %dma_start3A_456 = arith.constant 0 : i32
      %dma_start3A_457 = tpu.memref_slice %arg6[%add3A_445, %dma_start3A_456] : memref<40x125xi32, #tpu.memory_space<vmem>> -> memref<1x125xi32, #tpu.memory_space<vmem>>
      %dma_start3A_458 = tpu.memref_squeeze %dma_start3A_457 : memref<1x125xi32, #tpu.memory_space<vmem>> -> memref<125xi32, #tpu.memory_space<vmem>>
      %dma_start3A_459 = arith.constant 0 : i32
      %dma_start3A_460 = arith.constant 0 : i32
      %dma_start3A_461 = tpu.memref_slice %arg11[%dma_start3A_459, %dma_start3A_460] : memref<10240x16xf32, #tpu.memory_space<vmem_shared>> -> memref<10240x16xf32, #tpu.memory_space<vmem_shared>>
      tpu.enqueue_indirect_dma source(%arg9 : memref<125x16xf32, #tpu.memory_space<vmem>>) target(%dma_start3A_461 : memref<10240x16xf32, #tpu.memory_space<vmem_shared>>) offsets(%dma_start3A_458 : memref<125xi32, #tpu.memory_space<vmem>>) semaphore(%arg13 : memref<!tpu.dma_semaphore, #tpu.memory_space<semaphore_mem>>) {add = true}
      %mul3A_462 = arith.constant 20 : i32
      %mul3A_463 = arith.muli %scan3A_81, %mul3A_462 : i32
      %add3A_464 = arith.constant 19 : i32
      %add3A_465 = arith.addi %mul3A_463, %add3A_464 : i32
      %mul3A_466 = arith.constant 125 : i32
      %mul3A_467 = arith.muli %add3A_465, %mul3A_466 : i32
      %dma_start3A_468 = arith.constant 0 : i32
      %dma_start3A_469 = tpu.memref_slice %arg7[%mul3A_467, %dma_start3A_468] : memref<5000x16xf32, #tpu.memory_space<vmem>> -> memref<125x16xf32, #tpu.memory_space<vmem>>
      %dma_start3A_470 = arith.constant 0 : i32
      %dma_start3A_471 = tpu.memref_slice %arg6[%add3A_465, %dma_start3A_470] : memref<40x125xi32, #tpu.memory_space<vmem>> -> memref<1x125xi32, #tpu.memory_space<vmem>>
      %dma_start3A_472 = tpu.memref_squeeze %dma_start3A_471 : memref<1x125xi32, #tpu.memory_space<vmem>> -> memref<125xi32, #tpu.memory_space<vmem>>
      %dma_start3A_473 = arith.constant 0 : i32
      %dma_start3A_474 = arith.constant 0 : i32
      %dma_start3A_475 = tpu.memref_slice %arg10[%dma_start3A_473, %dma_start3A_474] : memref<10240x16xf32, #tpu.memory_space<vmem_shared>> -> memref<10240x16xf32, #tpu.memory_space<vmem_shared>>
      tpu.enqueue_indirect_dma source(%dma_start3A_469 : memref<125x16xf32, #tpu.memory_space<vmem>>) target(%dma_start3A_475 : memref<10240x16xf32, #tpu.memory_space<vmem_shared>>) offsets(%dma_start3A_472 : memref<125xi32, #tpu.memory_space<vmem>>) semaphore(%arg12 : memref<!tpu.dma_semaphore, #tpu.memory_space<semaphore_mem>>) {add = true}
      %dma_start3A_476 = arith.constant 0 : i32
      %dma_start3A_477 = tpu.memref_slice %arg6[%add3A_465, %dma_start3A_476] : memref<40x125xi32, #tpu.memory_space<vmem>> -> memref<1x125xi32, #tpu.memory_space<vmem>>
      %dma_start3A_478 = tpu.memref_squeeze %dma_start3A_477 : memref<1x125xi32, #tpu.memory_space<vmem>> -> memref<125xi32, #tpu.memory_space<vmem>>
      %dma_start3A_479 = arith.constant 0 : i32
      %dma_start3A_480 = arith.constant 0 : i32
      %dma_start3A_481 = tpu.memref_slice %arg11[%dma_start3A_479, %dma_start3A_480] : memref<10240x16xf32, #tpu.memory_space<vmem_shared>> -> memref<10240x16xf32, #tpu.memory_space<vmem_shared>>
      tpu.enqueue_indirect_dma source(%arg9 : memref<125x16xf32, #tpu.memory_space<vmem>>) target(%dma_start3A_481 : memref<10240x16xf32, #tpu.memory_space<vmem_shared>>) offsets(%dma_start3A_478 : memref<125xi32, #tpu.memory_space<vmem>>) semaphore(%arg13 : memref<!tpu.dma_semaphore, #tpu.memory_space<semaphore_mem>>) {add = true}
      %dma_wait3A_482 = arith.constant 0 : i32
      %dma_wait3A_483 = tpu.memref_slice %arg7[%mul3A_87, %dma_wait3A_482] : memref<5000x16xf32, #tpu.memory_space<vmem>> -> memref<125x16xf32, #tpu.memory_space<vmem>>
      %dma_wait3A_484 = arith.constant 0 : i32
      %dma_wait3A_485 = tpu.memref_slice %arg6[%add3A_85, %dma_wait3A_484] : memref<40x125xi32, #tpu.memory_space<vmem>> -> memref<1x125xi32, #tpu.memory_space<vmem>>
      %dma_wait3A_486 = tpu.memref_squeeze %dma_wait3A_485 : memref<1x125xi32, #tpu.memory_space<vmem>> -> memref<125xi32, #tpu.memory_space<vmem>>
      %dma_wait3A_487 = arith.constant 0 : i32
      %dma_wait3A_488 = arith.constant 0 : i32
      %dma_wait3A_489 = tpu.memref_slice %arg10[%dma_wait3A_487, %dma_wait3A_488] : memref<10240x16xf32, #tpu.memory_space<vmem_shared>> -> memref<10240x16xf32, #tpu.memory_space<vmem_shared>>
      tpu.wait_indirect_dma semaphore(%arg12 : memref<!tpu.dma_semaphore, #tpu.memory_space<semaphore_mem>>) src(%dma_wait3A_483 : memref<125x16xf32, #tpu.memory_space<vmem>>) dst(%dma_wait3A_489 : memref<10240x16xf32, #tpu.memory_space<vmem_shared>>)
      %dma_wait3A_490 = arith.constant 0 : i32
      %dma_wait3A_491 = tpu.memref_slice %arg6[%add3A_85, %dma_wait3A_490] : memref<40x125xi32, #tpu.memory_space<vmem>> -> memref<1x125xi32, #tpu.memory_space<vmem>>
      %dma_wait3A_492 = tpu.memref_squeeze %dma_wait3A_491 : memref<1x125xi32, #tpu.memory_space<vmem>> -> memref<125xi32, #tpu.memory_space<vmem>>
      %dma_wait3A_493 = arith.constant 0 : i32
      %dma_wait3A_494 = arith.constant 0 : i32
      %dma_wait3A_495 = tpu.memref_slice %arg11[%dma_wait3A_493, %dma_wait3A_494] : memref<10240x16xf32, #tpu.memory_space<vmem_shared>> -> memref<10240x16xf32, #tpu.memory_space<vmem_shared>>
      tpu.wait_indirect_dma semaphore(%arg13 : memref<!tpu.dma_semaphore, #tpu.memory_space<semaphore_mem>>) src(%arg9 : memref<125x16xf32, #tpu.memory_space<vmem>>) dst(%dma_wait3A_495 : memref<10240x16xf32, #tpu.memory_space<vmem_shared>>)
      %dma_wait3A_496 = arith.constant 0 : i32
      %dma_wait3A_497 = tpu.memref_slice %arg7[%mul3A_107, %dma_wait3A_496] : memref<5000x16xf32, #tpu.memory_space<vmem>> -> memref<125x16xf32, #tpu.memory_space<vmem>>
      %dma_wait3A_498 = arith.constant 0 : i32
      %dma_wait3A_499 = tpu.memref_slice %arg6[%add3A_105, %dma_wait3A_498] : memref<40x125xi32, #tpu.memory_space<vmem>> -> memref<1x125xi32, #tpu.memory_space<vmem>>
      %dma_wait3A_500 = tpu.memref_squeeze %dma_wait3A_499 : memref<1x125xi32, #tpu.memory_space<vmem>> -> memref<125xi32, #tpu.memory_space<vmem>>
      %dma_wait3A_501 = arith.constant 0 : i32
      %dma_wait3A_502 = arith.constant 0 : i32
      %dma_wait3A_503 = tpu.memref_slice %arg10[%dma_wait3A_501, %dma_wait3A_502] : memref<10240x16xf32, #tpu.memory_space<vmem_shared>> -> memref<10240x16xf32, #tpu.memory_space<vmem_shared>>
      tpu.wait_indirect_dma semaphore(%arg12 : memref<!tpu.dma_semaphore, #tpu.memory_space<semaphore_mem>>) src(%dma_wait3A_497 : memref<125x16xf32, #tpu.memory_space<vmem>>) dst(%dma_wait3A_503 : memref<10240x16xf32, #tpu.memory_space<vmem_shared>>)
      %dma_wait3A_504 = arith.constant 0 : i32
      %dma_wait3A_505 = tpu.memref_slice %arg6[%add3A_105, %dma_wait3A_504] : memref<40x125xi32, #tpu.memory_space<vmem>> -> memref<1x125xi32, #tpu.memory_space<vmem>>
      %dma_wait3A_506 = tpu.memref_squeeze %dma_wait3A_505 : memref<1x125xi32, #tpu.memory_space<vmem>> -> memref<125xi32, #tpu.memory_space<vmem>>
      %dma_wait3A_507 = arith.constant 0 : i32
      %dma_wait3A_508 = arith.constant 0 : i32
      %dma_wait3A_509 = tpu.memref_slice %arg11[%dma_wait3A_507, %dma_wait3A_508] : memref<10240x16xf32, #tpu.memory_space<vmem_shared>> -> memref<10240x16xf32, #tpu.memory_space<vmem_shared>>
      tpu.wait_indirect_dma semaphore(%arg13 : memref<!tpu.dma_semaphore, #tpu.memory_space<semaphore_mem>>) src(%arg9 : memref<125x16xf32, #tpu.memory_space<vmem>>) dst(%dma_wait3A_509 : memref<10240x16xf32, #tpu.memory_space<vmem_shared>>)
      %dma_wait3A_510 = arith.constant 0 : i32
      %dma_wait3A_511 = tpu.memref_slice %arg7[%mul3A_127, %dma_wait3A_510] : memref<5000x16xf32, #tpu.memory_space<vmem>> -> memref<125x16xf32, #tpu.memory_space<vmem>>
      %dma_wait3A_512 = arith.constant 0 : i32
      %dma_wait3A_513 = tpu.memref_slice %arg6[%add3A_125, %dma_wait3A_512] : memref<40x125xi32, #tpu.memory_space<vmem>> -> memref<1x125xi32, #tpu.memory_space<vmem>>
      %dma_wait3A_514 = tpu.memref_squeeze %dma_wait3A_513 : memref<1x125xi32, #tpu.memory_space<vmem>> -> memref<125xi32, #tpu.memory_space<vmem>>
      %dma_wait3A_515 = arith.constant 0 : i32
      %dma_wait3A_516 = arith.constant 0 : i32
      %dma_wait3A_517 = tpu.memref_slice %arg10[%dma_wait3A_515, %dma_wait3A_516] : memref<10240x16xf32, #tpu.memory_space<vmem_shared>> -> memref<10240x16xf32, #tpu.memory_space<vmem_shared>>
      tpu.wait_indirect_dma semaphore(%arg12 : memref<!tpu.dma_semaphore, #tpu.memory_space<semaphore_mem>>) src(%dma_wait3A_511 : memref<125x16xf32, #tpu.memory_space<vmem>>) dst(%dma_wait3A_517 : memref<10240x16xf32, #tpu.memory_space<vmem_shared>>)
      %dma_wait3A_518 = arith.constant 0 : i32
      %dma_wait3A_519 = tpu.memref_slice %arg6[%add3A_125, %dma_wait3A_518] : memref<40x125xi32, #tpu.memory_space<vmem>> -> memref<1x125xi32, #tpu.memory_space<vmem>>
      %dma_wait3A_520 = tpu.memref_squeeze %dma_wait3A_519 : memref<1x125xi32, #tpu.memory_space<vmem>> -> memref<125xi32, #tpu.memory_space<vmem>>
      %dma_wait3A_521 = arith.constant 0 : i32
      %dma_wait3A_522 = arith.constant 0 : i32
      %dma_wait3A_523 = tpu.memref_slice %arg11[%dma_wait3A_521, %dma_wait3A_522] : memref<10240x16xf32, #tpu.memory_space<vmem_shared>> -> memref<10240x16xf32, #tpu.memory_space<vmem_shared>>
      tpu.wait_indirect_dma semaphore(%arg13 : memref<!tpu.dma_semaphore, #tpu.memory_space<semaphore_mem>>) src(%arg9 : memref<125x16xf32, #tpu.memory_space<vmem>>) dst(%dma_wait3A_523 : memref<10240x16xf32, #tpu.memory_space<vmem_shared>>)
      %dma_wait3A_524 = arith.constant 0 : i32
      %dma_wait3A_525 = tpu.memref_slice %arg7[%mul3A_147, %dma_wait3A_524] : memref<5000x16xf32, #tpu.memory_space<vmem>> -> memref<125x16xf32, #tpu.memory_space<vmem>>
      %dma_wait3A_526 = arith.constant 0 : i32
      %dma_wait3A_527 = tpu.memref_slice %arg6[%add3A_145, %dma_wait3A_526] : memref<40x125xi32, #tpu.memory_space<vmem>> -> memref<1x125xi32, #tpu.memory_space<vmem>>
      %dma_wait3A_528 = tpu.memref_squeeze %dma_wait3A_527 : memref<1x125xi32, #tpu.memory_space<vmem>> -> memref<125xi32, #tpu.memory_space<vmem>>
      %dma_wait3A_529 = arith.constant 0 : i32
      %dma_wait3A_530 = arith.constant 0 : i32
      %dma_wait3A_531 = tpu.memref_slice %arg10[%dma_wait3A_529, %dma_wait3A_530] : memref<10240x16xf32, #tpu.memory_space<vmem_shared>> -> memref<10240x16xf32, #tpu.memory_space<vmem_shared>>
      tpu.wait_indirect_dma semaphore(%arg12 : memref<!tpu.dma_semaphore, #tpu.memory_space<semaphore_mem>>) src(%dma_wait3A_525 : memref<125x16xf32, #tpu.memory_space<vmem>>) dst(%dma_wait3A_531 : memref<10240x16xf32, #tpu.memory_space<vmem_shared>>)
      %dma_wait3A_532 = arith.constant 0 : i32
      %dma_wait3A_533 = tpu.memref_slice %arg6[%add3A_145, %dma_wait3A_532] : memref<40x125xi32, #tpu.memory_space<vmem>> -> memref<1x125xi32, #tpu.memory_space<vmem>>
      %dma_wait3A_534 = tpu.memref_squeeze %dma_wait3A_533 : memref<1x125xi32, #tpu.memory_space<vmem>> -> memref<125xi32, #tpu.memory_space<vmem>>
      %dma_wait3A_535 = arith.constant 0 : i32
      %dma_wait3A_536 = arith.constant 0 : i32
      %dma_wait3A_537 = tpu.memref_slice %arg11[%dma_wait3A_535, %dma_wait3A_536] : memref<10240x16xf32, #tpu.memory_space<vmem_shared>> -> memref<10240x16xf32, #tpu.memory_space<vmem_shared>>
      tpu.wait_indirect_dma semaphore(%arg13 : memref<!tpu.dma_semaphore, #tpu.memory_space<semaphore_mem>>) src(%arg9 : memref<125x16xf32, #tpu.memory_space<vmem>>) dst(%dma_wait3A_537 : memref<10240x16xf32, #tpu.memory_space<vmem_shared>>)
      %dma_wait3A_538 = arith.constant 0 : i32
      %dma_wait3A_539 = tpu.memref_slice %arg7[%mul3A_167, %dma_wait3A_538] : memref<5000x16xf32, #tpu.memory_space<vmem>> -> memref<125x16xf32, #tpu.memory_space<vmem>>
      %dma_wait3A_540 = arith.constant 0 : i32
      %dma_wait3A_541 = tpu.memref_slice %arg6[%add3A_165, %dma_wait3A_540] : memref<40x125xi32, #tpu.memory_space<vmem>> -> memref<1x125xi32, #tpu.memory_space<vmem>>
      %dma_wait3A_542 = tpu.memref_squeeze %dma_wait3A_541 : memref<1x125xi32, #tpu.memory_space<vmem>> -> memref<125xi32, #tpu.memory_space<vmem>>
      %dma_wait3A_543 = arith.constant 0 : i32
      %dma_wait3A_544 = arith.constant 0 : i32
      %dma_wait3A_545 = tpu.memref_slice %arg10[%dma_wait3A_543, %dma_wait3A_544] : memref<10240x16xf32, #tpu.memory_space<vmem_shared>> -> memref<10240x16xf32, #tpu.memory_space<vmem_shared>>
      tpu.wait_indirect_dma semaphore(%arg12 : memref<!tpu.dma_semaphore, #tpu.memory_space<semaphore_mem>>) src(%dma_wait3A_539 : memref<125x16xf32, #tpu.memory_space<vmem>>) dst(%dma_wait3A_545 : memref<10240x16xf32, #tpu.memory_space<vmem_shared>>)
      %dma_wait3A_546 = arith.constant 0 : i32
      %dma_wait3A_547 = tpu.memref_slice %arg6[%add3A_165, %dma_wait3A_546] : memref<40x125xi32, #tpu.memory_space<vmem>> -> memref<1x125xi32, #tpu.memory_space<vmem>>
      %dma_wait3A_548 = tpu.memref_squeeze %dma_wait3A_547 : memref<1x125xi32, #tpu.memory_space<vmem>> -> memref<125xi32, #tpu.memory_space<vmem>>
      %dma_wait3A_549 = arith.constant 0 : i32
      %dma_wait3A_550 = arith.constant 0 : i32
      %dma_wait3A_551 = tpu.memref_slice %arg11[%dma_wait3A_549, %dma_wait3A_550] : memref<10240x16xf32, #tpu.memory_space<vmem_shared>> -> memref<10240x16xf32, #tpu.memory_space<vmem_shared>>
      tpu.wait_indirect_dma semaphore(%arg13 : memref<!tpu.dma_semaphore, #tpu.memory_space<semaphore_mem>>) src(%arg9 : memref<125x16xf32, #tpu.memory_space<vmem>>) dst(%dma_wait3A_551 : memref<10240x16xf32, #tpu.memory_space<vmem_shared>>)
      %dma_wait3A_552 = arith.constant 0 : i32
      %dma_wait3A_553 = tpu.memref_slice %arg7[%mul3A_187, %dma_wait3A_552] : memref<5000x16xf32, #tpu.memory_space<vmem>> -> memref<125x16xf32, #tpu.memory_space<vmem>>
      %dma_wait3A_554 = arith.constant 0 : i32
      %dma_wait3A_555 = tpu.memref_slice %arg6[%add3A_185, %dma_wait3A_554] : memref<40x125xi32, #tpu.memory_space<vmem>> -> memref<1x125xi32, #tpu.memory_space<vmem>>
      %dma_wait3A_556 = tpu.memref_squeeze %dma_wait3A_555 : memref<1x125xi32, #tpu.memory_space<vmem>> -> memref<125xi32, #tpu.memory_space<vmem>>
      %dma_wait3A_557 = arith.constant 0 : i32
      %dma_wait3A_558 = arith.constant 0 : i32
      %dma_wait3A_559 = tpu.memref_slice %arg10[%dma_wait3A_557, %dma_wait3A_558] : memref<10240x16xf32, #tpu.memory_space<vmem_shared>> -> memref<10240x16xf32, #tpu.memory_space<vmem_shared>>
      tpu.wait_indirect_dma semaphore(%arg12 : memref<!tpu.dma_semaphore, #tpu.memory_space<semaphore_mem>>) src(%dma_wait3A_553 : memref<125x16xf32, #tpu.memory_space<vmem>>) dst(%dma_wait3A_559 : memref<10240x16xf32, #tpu.memory_space<vmem_shared>>)
      %dma_wait3A_560 = arith.constant 0 : i32
      %dma_wait3A_561 = tpu.memref_slice %arg6[%add3A_185, %dma_wait3A_560] : memref<40x125xi32, #tpu.memory_space<vmem>> -> memref<1x125xi32, #tpu.memory_space<vmem>>
      %dma_wait3A_562 = tpu.memref_squeeze %dma_wait3A_561 : memref<1x125xi32, #tpu.memory_space<vmem>> -> memref<125xi32, #tpu.memory_space<vmem>>
      %dma_wait3A_563 = arith.constant 0 : i32
      %dma_wait3A_564 = arith.constant 0 : i32
      %dma_wait3A_565 = tpu.memref_slice %arg11[%dma_wait3A_563, %dma_wait3A_564] : memref<10240x16xf32, #tpu.memory_space<vmem_shared>> -> memref<10240x16xf32, #tpu.memory_space<vmem_shared>>
      tpu.wait_indirect_dma semaphore(%arg13 : memref<!tpu.dma_semaphore, #tpu.memory_space<semaphore_mem>>) src(%arg9 : memref<125x16xf32, #tpu.memory_space<vmem>>) dst(%dma_wait3A_565 : memref<10240x16xf32, #tpu.memory_space<vmem_shared>>)
      %dma_wait3A_566 = arith.constant 0 : i32
      %dma_wait3A_567 = tpu.memref_slice %arg7[%mul3A_207, %dma_wait3A_566] : memref<5000x16xf32, #tpu.memory_space<vmem>> -> memref<125x16xf32, #tpu.memory_space<vmem>>
      %dma_wait3A_568 = arith.constant 0 : i32
      %dma_wait3A_569 = tpu.memref_slice %arg6[%add3A_205, %dma_wait3A_568] : memref<40x125xi32, #tpu.memory_space<vmem>> -> memref<1x125xi32, #tpu.memory_space<vmem>>
      %dma_wait3A_570 = tpu.memref_squeeze %dma_wait3A_569 : memref<1x125xi32, #tpu.memory_space<vmem>> -> memref<125xi32, #tpu.memory_space<vmem>>
      %dma_wait3A_571 = arith.constant 0 : i32
      %dma_wait3A_572 = arith.constant 0 : i32
      %dma_wait3A_573 = tpu.memref_slice %arg10[%dma_wait3A_571, %dma_wait3A_572] : memref<10240x16xf32, #tpu.memory_space<vmem_shared>> -> memref<10240x16xf32, #tpu.memory_space<vmem_shared>>
      tpu.wait_indirect_dma semaphore(%arg12 : memref<!tpu.dma_semaphore, #tpu.memory_space<semaphore_mem>>) src(%dma_wait3A_567 : memref<125x16xf32, #tpu.memory_space<vmem>>) dst(%dma_wait3A_573 : memref<10240x16xf32, #tpu.memory_space<vmem_shared>>)
      %dma_wait3A_574 = arith.constant 0 : i32
      %dma_wait3A_575 = tpu.memref_slice %arg6[%add3A_205, %dma_wait3A_574] : memref<40x125xi32, #tpu.memory_space<vmem>> -> memref<1x125xi32, #tpu.memory_space<vmem>>
      %dma_wait3A_576 = tpu.memref_squeeze %dma_wait3A_575 : memref<1x125xi32, #tpu.memory_space<vmem>> -> memref<125xi32, #tpu.memory_space<vmem>>
      %dma_wait3A_577 = arith.constant 0 : i32
      %dma_wait3A_578 = arith.constant 0 : i32
      %dma_wait3A_579 = tpu.memref_slice %arg11[%dma_wait3A_577, %dma_wait3A_578] : memref<10240x16xf32, #tpu.memory_space<vmem_shared>> -> memref<10240x16xf32, #tpu.memory_space<vmem_shared>>
      tpu.wait_indirect_dma semaphore(%arg13 : memref<!tpu.dma_semaphore, #tpu.memory_space<semaphore_mem>>) src(%arg9 : memref<125x16xf32, #tpu.memory_space<vmem>>) dst(%dma_wait3A_579 : memref<10240x16xf32, #tpu.memory_space<vmem_shared>>)
      %dma_wait3A_580 = arith.constant 0 : i32
      %dma_wait3A_581 = tpu.memref_slice %arg7[%mul3A_227, %dma_wait3A_580] : memref<5000x16xf32, #tpu.memory_space<vmem>> -> memref<125x16xf32, #tpu.memory_space<vmem>>
      %dma_wait3A_582 = arith.constant 0 : i32
      %dma_wait3A_583 = tpu.memref_slice %arg6[%add3A_225, %dma_wait3A_582] : memref<40x125xi32, #tpu.memory_space<vmem>> -> memref<1x125xi32, #tpu.memory_space<vmem>>
      %dma_wait3A_584 = tpu.memref_squeeze %dma_wait3A_583 : memref<1x125xi32, #tpu.memory_space<vmem>> -> memref<125xi32, #tpu.memory_space<vmem>>
      %dma_wait3A_585 = arith.constant 0 : i32
      %dma_wait3A_586 = arith.constant 0 : i32
      %dma_wait3A_587 = tpu.memref_slice %arg10[%dma_wait3A_585, %dma_wait3A_586] : memref<10240x16xf32, #tpu.memory_space<vmem_shared>> -> memref<10240x16xf32, #tpu.memory_space<vmem_shared>>
      tpu.wait_indirect_dma semaphore(%arg12 : memref<!tpu.dma_semaphore, #tpu.memory_space<semaphore_mem>>) src(%dma_wait3A_581 : memref<125x16xf32, #tpu.memory_space<vmem>>) dst(%dma_wait3A_587 : memref<10240x16xf32, #tpu.memory_space<vmem_shared>>)
      %dma_wait3A_588 = arith.constant 0 : i32
      %dma_wait3A_589 = tpu.memref_slice %arg6[%add3A_225, %dma_wait3A_588] : memref<40x125xi32, #tpu.memory_space<vmem>> -> memref<1x125xi32, #tpu.memory_space<vmem>>
      %dma_wait3A_590 = tpu.memref_squeeze %dma_wait3A_589 : memref<1x125xi32, #tpu.memory_space<vmem>> -> memref<125xi32, #tpu.memory_space<vmem>>
      %dma_wait3A_591 = arith.constant 0 : i32
      %dma_wait3A_592 = arith.constant 0 : i32
      %dma_wait3A_593 = tpu.memref_slice %arg11[%dma_wait3A_591, %dma_wait3A_592] : memref<10240x16xf32, #tpu.memory_space<vmem_shared>> -> memref<10240x16xf32, #tpu.memory_space<vmem_shared>>
      tpu.wait_indirect_dma semaphore(%arg13 : memref<!tpu.dma_semaphore, #tpu.memory_space<semaphore_mem>>) src(%arg9 : memref<125x16xf32, #tpu.memory_space<vmem>>) dst(%dma_wait3A_593 : memref<10240x16xf32, #tpu.memory_space<vmem_shared>>)
      %dma_wait3A_594 = arith.constant 0 : i32
      %dma_wait3A_595 = tpu.memref_slice %arg7[%mul3A_247, %dma_wait3A_594] : memref<5000x16xf32, #tpu.memory_space<vmem>> -> memref<125x16xf32, #tpu.memory_space<vmem>>
      %dma_wait3A_596 = arith.constant 0 : i32
      %dma_wait3A_597 = tpu.memref_slice %arg6[%add3A_245, %dma_wait3A_596] : memref<40x125xi32, #tpu.memory_space<vmem>> -> memref<1x125xi32, #tpu.memory_space<vmem>>
      %dma_wait3A_598 = tpu.memref_squeeze %dma_wait3A_597 : memref<1x125xi32, #tpu.memory_space<vmem>> -> memref<125xi32, #tpu.memory_space<vmem>>
      %dma_wait3A_599 = arith.constant 0 : i32
      %dma_wait3A_600 = arith.constant 0 : i32
      %dma_wait3A_601 = tpu.memref_slice %arg10[%dma_wait3A_599, %dma_wait3A_600] : memref<10240x16xf32, #tpu.memory_space<vmem_shared>> -> memref<10240x16xf32, #tpu.memory_space<vmem_shared>>
      tpu.wait_indirect_dma semaphore(%arg12 : memref<!tpu.dma_semaphore, #tpu.memory_space<semaphore_mem>>) src(%dma_wait3A_595 : memref<125x16xf32, #tpu.memory_space<vmem>>) dst(%dma_wait3A_601 : memref<10240x16xf32, #tpu.memory_space<vmem_shared>>)
      %dma_wait3A_602 = arith.constant 0 : i32
      %dma_wait3A_603 = tpu.memref_slice %arg6[%add3A_245, %dma_wait3A_602] : memref<40x125xi32, #tpu.memory_space<vmem>> -> memref<1x125xi32, #tpu.memory_space<vmem>>
      %dma_wait3A_604 = tpu.memref_squeeze %dma_wait3A_603 : memref<1x125xi32, #tpu.memory_space<vmem>> -> memref<125xi32, #tpu.memory_space<vmem>>
      %dma_wait3A_605 = arith.constant 0 : i32
      %dma_wait3A_606 = arith.constant 0 : i32
      %dma_wait3A_607 = tpu.memref_slice %arg11[%dma_wait3A_605, %dma_wait3A_606] : memref<10240x16xf32, #tpu.memory_space<vmem_shared>> -> memref<10240x16xf32, #tpu.memory_space<vmem_shared>>
      tpu.wait_indirect_dma semaphore(%arg13 : memref<!tpu.dma_semaphore, #tpu.memory_space<semaphore_mem>>) src(%arg9 : memref<125x16xf32, #tpu.memory_space<vmem>>) dst(%dma_wait3A_607 : memref<10240x16xf32, #tpu.memory_space<vmem_shared>>)
      %dma_wait3A_608 = arith.constant 0 : i32
      %dma_wait3A_609 = tpu.memref_slice %arg7[%mul3A_267, %dma_wait3A_608] : memref<5000x16xf32, #tpu.memory_space<vmem>> -> memref<125x16xf32, #tpu.memory_space<vmem>>
      %dma_wait3A_610 = arith.constant 0 : i32
      %dma_wait3A_611 = tpu.memref_slice %arg6[%add3A_265, %dma_wait3A_610] : memref<40x125xi32, #tpu.memory_space<vmem>> -> memref<1x125xi32, #tpu.memory_space<vmem>>
      %dma_wait3A_612 = tpu.memref_squeeze %dma_wait3A_611 : memref<1x125xi32, #tpu.memory_space<vmem>> -> memref<125xi32, #tpu.memory_space<vmem>>
      %dma_wait3A_613 = arith.constant 0 : i32
      %dma_wait3A_614 = arith.constant 0 : i32
      %dma_wait3A_615 = tpu.memref_slice %arg10[%dma_wait3A_613, %dma_wait3A_614] : memref<10240x16xf32, #tpu.memory_space<vmem_shared>> -> memref<10240x16xf32, #tpu.memory_space<vmem_shared>>
      tpu.wait_indirect_dma semaphore(%arg12 : memref<!tpu.dma_semaphore, #tpu.memory_space<semaphore_mem>>) src(%dma_wait3A_609 : memref<125x16xf32, #tpu.memory_space<vmem>>) dst(%dma_wait3A_615 : memref<10240x16xf32, #tpu.memory_space<vmem_shared>>)
      %dma_wait3A_616 = arith.constant 0 : i32
      %dma_wait3A_617 = tpu.memref_slice %arg6[%add3A_265, %dma_wait3A_616] : memref<40x125xi32, #tpu.memory_space<vmem>> -> memref<1x125xi32, #tpu.memory_space<vmem>>
      %dma_wait3A_618 = tpu.memref_squeeze %dma_wait3A_617 : memref<1x125xi32, #tpu.memory_space<vmem>> -> memref<125xi32, #tpu.memory_space<vmem>>
      %dma_wait3A_619 = arith.constant 0 : i32
      %dma_wait3A_620 = arith.constant 0 : i32
      %dma_wait3A_621 = tpu.memref_slice %arg11[%dma_wait3A_619, %dma_wait3A_620] : memref<10240x16xf32, #tpu.memory_space<vmem_shared>> -> memref<10240x16xf32, #tpu.memory_space<vmem_shared>>
      tpu.wait_indirect_dma semaphore(%arg13 : memref<!tpu.dma_semaphore, #tpu.memory_space<semaphore_mem>>) src(%arg9 : memref<125x16xf32, #tpu.memory_space<vmem>>) dst(%dma_wait3A_621 : memref<10240x16xf32, #tpu.memory_space<vmem_shared>>)
      %dma_wait3A_622 = arith.constant 0 : i32
      %dma_wait3A_623 = tpu.memref_slice %arg7[%mul3A_287, %dma_wait3A_622] : memref<5000x16xf32, #tpu.memory_space<vmem>> -> memref<125x16xf32, #tpu.memory_space<vmem>>
      %dma_wait3A_624 = arith.constant 0 : i32
      %dma_wait3A_625 = tpu.memref_slice %arg6[%add3A_285, %dma_wait3A_624] : memref<40x125xi32, #tpu.memory_space<vmem>> -> memref<1x125xi32, #tpu.memory_space<vmem>>
      %dma_wait3A_626 = tpu.memref_squeeze %dma_wait3A_625 : memref<1x125xi32, #tpu.memory_space<vmem>> -> memref<125xi32, #tpu.memory_space<vmem>>
      %dma_wait3A_627 = arith.constant 0 : i32
      %dma_wait3A_628 = arith.constant 0 : i32
      %dma_wait3A_629 = tpu.memref_slice %arg10[%dma_wait3A_627, %dma_wait3A_628] : memref<10240x16xf32, #tpu.memory_space<vmem_shared>> -> memref<10240x16xf32, #tpu.memory_space<vmem_shared>>
      tpu.wait_indirect_dma semaphore(%arg12 : memref<!tpu.dma_semaphore, #tpu.memory_space<semaphore_mem>>) src(%dma_wait3A_623 : memref<125x16xf32, #tpu.memory_space<vmem>>) dst(%dma_wait3A_629 : memref<10240x16xf32, #tpu.memory_space<vmem_shared>>)
      %dma_wait3A_630 = arith.constant 0 : i32
      %dma_wait3A_631 = tpu.memref_slice %arg6[%add3A_285, %dma_wait3A_630] : memref<40x125xi32, #tpu.memory_space<vmem>> -> memref<1x125xi32, #tpu.memory_space<vmem>>
      %dma_wait3A_632 = tpu.memref_squeeze %dma_wait3A_631 : memref<1x125xi32, #tpu.memory_space<vmem>> -> memref<125xi32, #tpu.memory_space<vmem>>
      %dma_wait3A_633 = arith.constant 0 : i32
      %dma_wait3A_634 = arith.constant 0 : i32
      %dma_wait3A_635 = tpu.memref_slice %arg11[%dma_wait3A_633, %dma_wait3A_634] : memref<10240x16xf32, #tpu.memory_space<vmem_shared>> -> memref<10240x16xf32, #tpu.memory_space<vmem_shared>>
      tpu.wait_indirect_dma semaphore(%arg13 : memref<!tpu.dma_semaphore, #tpu.memory_space<semaphore_mem>>) src(%arg9 : memref<125x16xf32, #tpu.memory_space<vmem>>) dst(%dma_wait3A_635 : memref<10240x16xf32, #tpu.memory_space<vmem_shared>>)
      %dma_wait3A_636 = arith.constant 0 : i32
      %dma_wait3A_637 = tpu.memref_slice %arg7[%mul3A_307, %dma_wait3A_636] : memref<5000x16xf32, #tpu.memory_space<vmem>> -> memref<125x16xf32, #tpu.memory_space<vmem>>
      %dma_wait3A_638 = arith.constant 0 : i32
      %dma_wait3A_639 = tpu.memref_slice %arg6[%add3A_305, %dma_wait3A_638] : memref<40x125xi32, #tpu.memory_space<vmem>> -> memref<1x125xi32, #tpu.memory_space<vmem>>
      %dma_wait3A_640 = tpu.memref_squeeze %dma_wait3A_639 : memref<1x125xi32, #tpu.memory_space<vmem>> -> memref<125xi32, #tpu.memory_space<vmem>>
      %dma_wait3A_641 = arith.constant 0 : i32
      %dma_wait3A_642 = arith.constant 0 : i32
      %dma_wait3A_643 = tpu.memref_slice %arg10[%dma_wait3A_641, %dma_wait3A_642] : memref<10240x16xf32, #tpu.memory_space<vmem_shared>> -> memref<10240x16xf32, #tpu.memory_space<vmem_shared>>
      tpu.wait_indirect_dma semaphore(%arg12 : memref<!tpu.dma_semaphore, #tpu.memory_space<semaphore_mem>>) src(%dma_wait3A_637 : memref<125x16xf32, #tpu.memory_space<vmem>>) dst(%dma_wait3A_643 : memref<10240x16xf32, #tpu.memory_space<vmem_shared>>)
      %dma_wait3A_644 = arith.constant 0 : i32
      %dma_wait3A_645 = tpu.memref_slice %arg6[%add3A_305, %dma_wait3A_644] : memref<40x125xi32, #tpu.memory_space<vmem>> -> memref<1x125xi32, #tpu.memory_space<vmem>>
      %dma_wait3A_646 = tpu.memref_squeeze %dma_wait3A_645 : memref<1x125xi32, #tpu.memory_space<vmem>> -> memref<125xi32, #tpu.memory_space<vmem>>
      %dma_wait3A_647 = arith.constant 0 : i32
      %dma_wait3A_648 = arith.constant 0 : i32
      %dma_wait3A_649 = tpu.memref_slice %arg11[%dma_wait3A_647, %dma_wait3A_648] : memref<10240x16xf32, #tpu.memory_space<vmem_shared>> -> memref<10240x16xf32, #tpu.memory_space<vmem_shared>>
      tpu.wait_indirect_dma semaphore(%arg13 : memref<!tpu.dma_semaphore, #tpu.memory_space<semaphore_mem>>) src(%arg9 : memref<125x16xf32, #tpu.memory_space<vmem>>) dst(%dma_wait3A_649 : memref<10240x16xf32, #tpu.memory_space<vmem_shared>>)
      %dma_wait3A_650 = arith.constant 0 : i32
      %dma_wait3A_651 = tpu.memref_slice %arg7[%mul3A_327, %dma_wait3A_650] : memref<5000x16xf32, #tpu.memory_space<vmem>> -> memref<125x16xf32, #tpu.memory_space<vmem>>
      %dma_wait3A_652 = arith.constant 0 : i32
      %dma_wait3A_653 = tpu.memref_slice %arg6[%add3A_325, %dma_wait3A_652] : memref<40x125xi32, #tpu.memory_space<vmem>> -> memref<1x125xi32, #tpu.memory_space<vmem>>
      %dma_wait3A_654 = tpu.memref_squeeze %dma_wait3A_653 : memref<1x125xi32, #tpu.memory_space<vmem>> -> memref<125xi32, #tpu.memory_space<vmem>>
      %dma_wait3A_655 = arith.constant 0 : i32
      %dma_wait3A_656 = arith.constant 0 : i32
      %dma_wait3A_657 = tpu.memref_slice %arg10[%dma_wait3A_655, %dma_wait3A_656] : memref<10240x16xf32, #tpu.memory_space<vmem_shared>> -> memref<10240x16xf32, #tpu.memory_space<vmem_shared>>
      tpu.wait_indirect_dma semaphore(%arg12 : memref<!tpu.dma_semaphore, #tpu.memory_space<semaphore_mem>>) src(%dma_wait3A_651 : memref<125x16xf32, #tpu.memory_space<vmem>>) dst(%dma_wait3A_657 : memref<10240x16xf32, #tpu.memory_space<vmem_shared>>)
      %dma_wait3A_658 = arith.constant 0 : i32
      %dma_wait3A_659 = tpu.memref_slice %arg6[%add3A_325, %dma_wait3A_658] : memref<40x125xi32, #tpu.memory_space<vmem>> -> memref<1x125xi32, #tpu.memory_space<vmem>>
      %dma_wait3A_660 = tpu.memref_squeeze %dma_wait3A_659 : memref<1x125xi32, #tpu.memory_space<vmem>> -> memref<125xi32, #tpu.memory_space<vmem>>
      %dma_wait3A_661 = arith.constant 0 : i32
      %dma_wait3A_662 = arith.constant 0 : i32
      %dma_wait3A_663 = tpu.memref_slice %arg11[%dma_wait3A_661, %dma_wait3A_662] : memref<10240x16xf32, #tpu.memory_space<vmem_shared>> -> memref<10240x16xf32, #tpu.memory_space<vmem_shared>>
      tpu.wait_indirect_dma semaphore(%arg13 : memref<!tpu.dma_semaphore, #tpu.memory_space<semaphore_mem>>) src(%arg9 : memref<125x16xf32, #tpu.memory_space<vmem>>) dst(%dma_wait3A_663 : memref<10240x16xf32, #tpu.memory_space<vmem_shared>>)
      %dma_wait3A_664 = arith.constant 0 : i32
      %dma_wait3A_665 = tpu.memref_slice %arg7[%mul3A_347, %dma_wait3A_664] : memref<5000x16xf32, #tpu.memory_space<vmem>> -> memref<125x16xf32, #tpu.memory_space<vmem>>
      %dma_wait3A_666 = arith.constant 0 : i32
      %dma_wait3A_667 = tpu.memref_slice %arg6[%add3A_345, %dma_wait3A_666] : memref<40x125xi32, #tpu.memory_space<vmem>> -> memref<1x125xi32, #tpu.memory_space<vmem>>
      %dma_wait3A_668 = tpu.memref_squeeze %dma_wait3A_667 : memref<1x125xi32, #tpu.memory_space<vmem>> -> memref<125xi32, #tpu.memory_space<vmem>>
      %dma_wait3A_669 = arith.constant 0 : i32
      %dma_wait3A_670 = arith.constant 0 : i32
      %dma_wait3A_671 = tpu.memref_slice %arg10[%dma_wait3A_669, %dma_wait3A_670] : memref<10240x16xf32, #tpu.memory_space<vmem_shared>> -> memref<10240x16xf32, #tpu.memory_space<vmem_shared>>
      tpu.wait_indirect_dma semaphore(%arg12 : memref<!tpu.dma_semaphore, #tpu.memory_space<semaphore_mem>>) src(%dma_wait3A_665 : memref<125x16xf32, #tpu.memory_space<vmem>>) dst(%dma_wait3A_671 : memref<10240x16xf32, #tpu.memory_space<vmem_shared>>)
      %dma_wait3A_672 = arith.constant 0 : i32
      %dma_wait3A_673 = tpu.memref_slice %arg6[%add3A_345, %dma_wait3A_672] : memref<40x125xi32, #tpu.memory_space<vmem>> -> memref<1x125xi32, #tpu.memory_space<vmem>>
      %dma_wait3A_674 = tpu.memref_squeeze %dma_wait3A_673 : memref<1x125xi32, #tpu.memory_space<vmem>> -> memref<125xi32, #tpu.memory_space<vmem>>
      %dma_wait3A_675 = arith.constant 0 : i32
      %dma_wait3A_676 = arith.constant 0 : i32
      %dma_wait3A_677 = tpu.memref_slice %arg11[%dma_wait3A_675, %dma_wait3A_676] : memref<10240x16xf32, #tpu.memory_space<vmem_shared>> -> memref<10240x16xf32, #tpu.memory_space<vmem_shared>>
      tpu.wait_indirect_dma semaphore(%arg13 : memref<!tpu.dma_semaphore, #tpu.memory_space<semaphore_mem>>) src(%arg9 : memref<125x16xf32, #tpu.memory_space<vmem>>) dst(%dma_wait3A_677 : memref<10240x16xf32, #tpu.memory_space<vmem_shared>>)
      %dma_wait3A_678 = arith.constant 0 : i32
      %dma_wait3A_679 = tpu.memref_slice %arg7[%mul3A_367, %dma_wait3A_678] : memref<5000x16xf32, #tpu.memory_space<vmem>> -> memref<125x16xf32, #tpu.memory_space<vmem>>
      %dma_wait3A_680 = arith.constant 0 : i32
      %dma_wait3A_681 = tpu.memref_slice %arg6[%add3A_365, %dma_wait3A_680] : memref<40x125xi32, #tpu.memory_space<vmem>> -> memref<1x125xi32, #tpu.memory_space<vmem>>
      %dma_wait3A_682 = tpu.memref_squeeze %dma_wait3A_681 : memref<1x125xi32, #tpu.memory_space<vmem>> -> memref<125xi32, #tpu.memory_space<vmem>>
      %dma_wait3A_683 = arith.constant 0 : i32
      %dma_wait3A_684 = arith.constant 0 : i32
      %dma_wait3A_685 = tpu.memref_slice %arg10[%dma_wait3A_683, %dma_wait3A_684] : memref<10240x16xf32, #tpu.memory_space<vmem_shared>> -> memref<10240x16xf32, #tpu.memory_space<vmem_shared>>
      tpu.wait_indirect_dma semaphore(%arg12 : memref<!tpu.dma_semaphore, #tpu.memory_space<semaphore_mem>>) src(%dma_wait3A_679 : memref<125x16xf32, #tpu.memory_space<vmem>>) dst(%dma_wait3A_685 : memref<10240x16xf32, #tpu.memory_space<vmem_shared>>)
      %dma_wait3A_686 = arith.constant 0 : i32
      %dma_wait3A_687 = tpu.memref_slice %arg6[%add3A_365, %dma_wait3A_686] : memref<40x125xi32, #tpu.memory_space<vmem>> -> memref<1x125xi32, #tpu.memory_space<vmem>>
      %dma_wait3A_688 = tpu.memref_squeeze %dma_wait3A_687 : memref<1x125xi32, #tpu.memory_space<vmem>> -> memref<125xi32, #tpu.memory_space<vmem>>
      %dma_wait3A_689 = arith.constant 0 : i32
      %dma_wait3A_690 = arith.constant 0 : i32
      %dma_wait3A_691 = tpu.memref_slice %arg11[%dma_wait3A_689, %dma_wait3A_690] : memref<10240x16xf32, #tpu.memory_space<vmem_shared>> -> memref<10240x16xf32, #tpu.memory_space<vmem_shared>>
      tpu.wait_indirect_dma semaphore(%arg13 : memref<!tpu.dma_semaphore, #tpu.memory_space<semaphore_mem>>) src(%arg9 : memref<125x16xf32, #tpu.memory_space<vmem>>) dst(%dma_wait3A_691 : memref<10240x16xf32, #tpu.memory_space<vmem_shared>>)
      %dma_wait3A_692 = arith.constant 0 : i32
      %dma_wait3A_693 = tpu.memref_slice %arg7[%mul3A_387, %dma_wait3A_692] : memref<5000x16xf32, #tpu.memory_space<vmem>> -> memref<125x16xf32, #tpu.memory_space<vmem>>
      %dma_wait3A_694 = arith.constant 0 : i32
      %dma_wait3A_695 = tpu.memref_slice %arg6[%add3A_385, %dma_wait3A_694] : memref<40x125xi32, #tpu.memory_space<vmem>> -> memref<1x125xi32, #tpu.memory_space<vmem>>
      %dma_wait3A_696 = tpu.memref_squeeze %dma_wait3A_695 : memref<1x125xi32, #tpu.memory_space<vmem>> -> memref<125xi32, #tpu.memory_space<vmem>>
      %dma_wait3A_697 = arith.constant 0 : i32
      %dma_wait3A_698 = arith.constant 0 : i32
      %dma_wait3A_699 = tpu.memref_slice %arg10[%dma_wait3A_697, %dma_wait3A_698] : memref<10240x16xf32, #tpu.memory_space<vmem_shared>> -> memref<10240x16xf32, #tpu.memory_space<vmem_shared>>
      tpu.wait_indirect_dma semaphore(%arg12 : memref<!tpu.dma_semaphore, #tpu.memory_space<semaphore_mem>>) src(%dma_wait3A_693 : memref<125x16xf32, #tpu.memory_space<vmem>>) dst(%dma_wait3A_699 : memref<10240x16xf32, #tpu.memory_space<vmem_shared>>)
      %dma_wait3A_700 = arith.constant 0 : i32
      %dma_wait3A_701 = tpu.memref_slice %arg6[%add3A_385, %dma_wait3A_700] : memref<40x125xi32, #tpu.memory_space<vmem>> -> memref<1x125xi32, #tpu.memory_space<vmem>>
      %dma_wait3A_702 = tpu.memref_squeeze %dma_wait3A_701 : memref<1x125xi32, #tpu.memory_space<vmem>> -> memref<125xi32, #tpu.memory_space<vmem>>
      %dma_wait3A_703 = arith.constant 0 : i32
      %dma_wait3A_704 = arith.constant 0 : i32
      %dma_wait3A_705 = tpu.memref_slice %arg11[%dma_wait3A_703, %dma_wait3A_704] : memref<10240x16xf32, #tpu.memory_space<vmem_shared>> -> memref<10240x16xf32, #tpu.memory_space<vmem_shared>>
      tpu.wait_indirect_dma semaphore(%arg13 : memref<!tpu.dma_semaphore, #tpu.memory_space<semaphore_mem>>) src(%arg9 : memref<125x16xf32, #tpu.memory_space<vmem>>) dst(%dma_wait3A_705 : memref<10240x16xf32, #tpu.memory_space<vmem_shared>>)
      %dma_wait3A_706 = arith.constant 0 : i32
      %dma_wait3A_707 = tpu.memref_slice %arg7[%mul3A_407, %dma_wait3A_706] : memref<5000x16xf32, #tpu.memory_space<vmem>> -> memref<125x16xf32, #tpu.memory_space<vmem>>
      %dma_wait3A_708 = arith.constant 0 : i32
      %dma_wait3A_709 = tpu.memref_slice %arg6[%add3A_405, %dma_wait3A_708] : memref<40x125xi32, #tpu.memory_space<vmem>> -> memref<1x125xi32, #tpu.memory_space<vmem>>
      %dma_wait3A_710 = tpu.memref_squeeze %dma_wait3A_709 : memref<1x125xi32, #tpu.memory_space<vmem>> -> memref<125xi32, #tpu.memory_space<vmem>>
      %dma_wait3A_711 = arith.constant 0 : i32
      %dma_wait3A_712 = arith.constant 0 : i32
      %dma_wait3A_713 = tpu.memref_slice %arg10[%dma_wait3A_711, %dma_wait3A_712] : memref<10240x16xf32, #tpu.memory_space<vmem_shared>> -> memref<10240x16xf32, #tpu.memory_space<vmem_shared>>
      tpu.wait_indirect_dma semaphore(%arg12 : memref<!tpu.dma_semaphore, #tpu.memory_space<semaphore_mem>>) src(%dma_wait3A_707 : memref<125x16xf32, #tpu.memory_space<vmem>>) dst(%dma_wait3A_713 : memref<10240x16xf32, #tpu.memory_space<vmem_shared>>)
      %dma_wait3A_714 = arith.constant 0 : i32
      %dma_wait3A_715 = tpu.memref_slice %arg6[%add3A_405, %dma_wait3A_714] : memref<40x125xi32, #tpu.memory_space<vmem>> -> memref<1x125xi32, #tpu.memory_space<vmem>>
      %dma_wait3A_716 = tpu.memref_squeeze %dma_wait3A_715 : memref<1x125xi32, #tpu.memory_space<vmem>> -> memref<125xi32, #tpu.memory_space<vmem>>
      %dma_wait3A_717 = arith.constant 0 : i32
      %dma_wait3A_718 = arith.constant 0 : i32
      %dma_wait3A_719 = tpu.memref_slice %arg11[%dma_wait3A_717, %dma_wait3A_718] : memref<10240x16xf32, #tpu.memory_space<vmem_shared>> -> memref<10240x16xf32, #tpu.memory_space<vmem_shared>>
      tpu.wait_indirect_dma semaphore(%arg13 : memref<!tpu.dma_semaphore, #tpu.memory_space<semaphore_mem>>) src(%arg9 : memref<125x16xf32, #tpu.memory_space<vmem>>) dst(%dma_wait3A_719 : memref<10240x16xf32, #tpu.memory_space<vmem_shared>>)
      %dma_wait3A_720 = arith.constant 0 : i32
      %dma_wait3A_721 = tpu.memref_slice %arg7[%mul3A_427, %dma_wait3A_720] : memref<5000x16xf32, #tpu.memory_space<vmem>> -> memref<125x16xf32, #tpu.memory_space<vmem>>
      %dma_wait3A_722 = arith.constant 0 : i32
      %dma_wait3A_723 = tpu.memref_slice %arg6[%add3A_425, %dma_wait3A_722] : memref<40x125xi32, #tpu.memory_space<vmem>> -> memref<1x125xi32, #tpu.memory_space<vmem>>
      %dma_wait3A_724 = tpu.memref_squeeze %dma_wait3A_723 : memref<1x125xi32, #tpu.memory_space<vmem>> -> memref<125xi32, #tpu.memory_space<vmem>>
      %dma_wait3A_725 = arith.constant 0 : i32
      %dma_wait3A_726 = arith.constant 0 : i32
      %dma_wait3A_727 = tpu.memref_slice %arg10[%dma_wait3A_725, %dma_wait3A_726] : memref<10240x16xf32, #tpu.memory_space<vmem_shared>> -> memref<10240x16xf32, #tpu.memory_space<vmem_shared>>
      tpu.wait_indirect_dma semaphore(%arg12 : memref<!tpu.dma_semaphore, #tpu.memory_space<semaphore_mem>>) src(%dma_wait3A_721 : memref<125x16xf32, #tpu.memory_space<vmem>>) dst(%dma_wait3A_727 : memref<10240x16xf32, #tpu.memory_space<vmem_shared>>)
      %dma_wait3A_728 = arith.constant 0 : i32
      %dma_wait3A_729 = tpu.memref_slice %arg6[%add3A_425, %dma_wait3A_728] : memref<40x125xi32, #tpu.memory_space<vmem>> -> memref<1x125xi32, #tpu.memory_space<vmem>>
      %dma_wait3A_730 = tpu.memref_squeeze %dma_wait3A_729 : memref<1x125xi32, #tpu.memory_space<vmem>> -> memref<125xi32, #tpu.memory_space<vmem>>
      %dma_wait3A_731 = arith.constant 0 : i32
      %dma_wait3A_732 = arith.constant 0 : i32
      %dma_wait3A_733 = tpu.memref_slice %arg11[%dma_wait3A_731, %dma_wait3A_732] : memref<10240x16xf32, #tpu.memory_space<vmem_shared>> -> memref<10240x16xf32, #tpu.memory_space<vmem_shared>>
      tpu.wait_indirect_dma semaphore(%arg13 : memref<!tpu.dma_semaphore, #tpu.memory_space<semaphore_mem>>) src(%arg9 : memref<125x16xf32, #tpu.memory_space<vmem>>) dst(%dma_wait3A_733 : memref<10240x16xf32, #tpu.memory_space<vmem_shared>>)
      %dma_wait3A_734 = arith.constant 0 : i32
      %dma_wait3A_735 = tpu.memref_slice %arg7[%mul3A_447, %dma_wait3A_734] : memref<5000x16xf32, #tpu.memory_space<vmem>> -> memref<125x16xf32, #tpu.memory_space<vmem>>
      %dma_wait3A_736 = arith.constant 0 : i32
      %dma_wait3A_737 = tpu.memref_slice %arg6[%add3A_445, %dma_wait3A_736] : memref<40x125xi32, #tpu.memory_space<vmem>> -> memref<1x125xi32, #tpu.memory_space<vmem>>
      %dma_wait3A_738 = tpu.memref_squeeze %dma_wait3A_737 : memref<1x125xi32, #tpu.memory_space<vmem>> -> memref<125xi32, #tpu.memory_space<vmem>>
      %dma_wait3A_739 = arith.constant 0 : i32
      %dma_wait3A_740 = arith.constant 0 : i32
      %dma_wait3A_741 = tpu.memref_slice %arg10[%dma_wait3A_739, %dma_wait3A_740] : memref<10240x16xf32, #tpu.memory_space<vmem_shared>> -> memref<10240x16xf32, #tpu.memory_space<vmem_shared>>
      tpu.wait_indirect_dma semaphore(%arg12 : memref<!tpu.dma_semaphore, #tpu.memory_space<semaphore_mem>>) src(%dma_wait3A_735 : memref<125x16xf32, #tpu.memory_space<vmem>>) dst(%dma_wait3A_741 : memref<10240x16xf32, #tpu.memory_space<vmem_shared>>)
      %dma_wait3A_742 = arith.constant 0 : i32
      %dma_wait3A_743 = tpu.memref_slice %arg6[%add3A_445, %dma_wait3A_742] : memref<40x125xi32, #tpu.memory_space<vmem>> -> memref<1x125xi32, #tpu.memory_space<vmem>>
      %dma_wait3A_744 = tpu.memref_squeeze %dma_wait3A_743 : memref<1x125xi32, #tpu.memory_space<vmem>> -> memref<125xi32, #tpu.memory_space<vmem>>
      %dma_wait3A_745 = arith.constant 0 : i32
      %dma_wait3A_746 = arith.constant 0 : i32
      %dma_wait3A_747 = tpu.memref_slice %arg11[%dma_wait3A_745, %dma_wait3A_746] : memref<10240x16xf32, #tpu.memory_space<vmem_shared>> -> memref<10240x16xf32, #tpu.memory_space<vmem_shared>>
      tpu.wait_indirect_dma semaphore(%arg13 : memref<!tpu.dma_semaphore, #tpu.memory_space<semaphore_mem>>) src(%arg9 : memref<125x16xf32, #tpu.memory_space<vmem>>) dst(%dma_wait3A_747 : memref<10240x16xf32, #tpu.memory_space<vmem_shared>>)
      %dma_wait3A_748 = arith.constant 0 : i32
      %dma_wait3A_749 = tpu.memref_slice %arg7[%mul3A_467, %dma_wait3A_748] : memref<5000x16xf32, #tpu.memory_space<vmem>> -> memref<125x16xf32, #tpu.memory_space<vmem>>
      %dma_wait3A_750 = arith.constant 0 : i32
      %dma_wait3A_751 = tpu.memref_slice %arg6[%add3A_465, %dma_wait3A_750] : memref<40x125xi32, #tpu.memory_space<vmem>> -> memref<1x125xi32, #tpu.memory_space<vmem>>
      %dma_wait3A_752 = tpu.memref_squeeze %dma_wait3A_751 : memref<1x125xi32, #tpu.memory_space<vmem>> -> memref<125xi32, #tpu.memory_space<vmem>>
      %dma_wait3A_753 = arith.constant 0 : i32
      %dma_wait3A_754 = arith.constant 0 : i32
      %dma_wait3A_755 = tpu.memref_slice %arg10[%dma_wait3A_753, %dma_wait3A_754] : memref<10240x16xf32, #tpu.memory_space<vmem_shared>> -> memref<10240x16xf32, #tpu.memory_space<vmem_shared>>
      tpu.wait_indirect_dma semaphore(%arg12 : memref<!tpu.dma_semaphore, #tpu.memory_space<semaphore_mem>>) src(%dma_wait3A_749 : memref<125x16xf32, #tpu.memory_space<vmem>>) dst(%dma_wait3A_755 : memref<10240x16xf32, #tpu.memory_space<vmem_shared>>)
      %dma_wait3A_756 = arith.constant 0 : i32
      %dma_wait3A_757 = tpu.memref_slice %arg6[%add3A_465, %dma_wait3A_756] : memref<40x125xi32, #tpu.memory_space<vmem>> -> memref<1x125xi32, #tpu.memory_space<vmem>>
      %dma_wait3A_758 = tpu.memref_squeeze %dma_wait3A_757 : memref<1x125xi32, #tpu.memory_space<vmem>> -> memref<125xi32, #tpu.memory_space<vmem>>
      %dma_wait3A_759 = arith.constant 0 : i32
      %dma_wait3A_760 = arith.constant 0 : i32
      %dma_wait3A_761 = tpu.memref_slice %arg11[%dma_wait3A_759, %dma_wait3A_760] : memref<10240x16xf32, #tpu.memory_space<vmem_shared>> -> memref<10240x16xf32, #tpu.memory_space<vmem_shared>>
      tpu.wait_indirect_dma semaphore(%arg13 : memref<!tpu.dma_semaphore, #tpu.memory_space<semaphore_mem>>) src(%arg9 : memref<125x16xf32, #tpu.memory_space<vmem>>) dst(%dma_wait3A_761 : memref<10240x16xf32, #tpu.memory_space<vmem_shared>>)
    }
    %scan3A_51 = arith.constant 2 : i32
    %barrier3A_52 = arith.constant 0 : index
    tpu.barrier barrier_id(%barrier3A_52)
    %mul3A_53 = arith.constant 640 : i32
    %mul3A_54 = arith.muli %arg1, %mul3A_53 : i32
    %mul3A_55 = arith.constant 640 : i32
    %mul3A_56 = arith.muli %arg1, %mul3A_55 : i32
    %dma_start3A_57 = arith.constant 0 : i32
    %dma_start3A_58 = tpu.memref_slice %arg4[%arg0, %mul3A_56, %dma_start3A_57] : memref<2x10240x16xf32, #tpu.memory_space<hbm>> -> memref<1x640x16xf32, #tpu.memory_space<hbm>>
    %dma_start3A_59 = tpu.memref_squeeze %dma_start3A_58 : memref<1x640x16xf32, #tpu.memory_space<hbm>> -> memref<640x16xf32, #tpu.memory_space<hbm>>
    %dma_start3A_60 = arith.constant 0 : i32
    %dma_start3A_61 = tpu.memref_slice %arg10[%mul3A_54, %dma_start3A_60] : memref<10240x16xf32, #tpu.memory_space<vmem_shared>> -> memref<640x16xf32, #tpu.memory_space<vmem_shared>>
    tpu.enqueue_dma source(%dma_start3A_61 : memref<640x16xf32, #tpu.memory_space<vmem_shared>>) target(%dma_start3A_59 : memref<640x16xf32, #tpu.memory_space<hbm>>) target_semaphore(%arg12 : memref<!tpu.dma_semaphore, #tpu.memory_space<semaphore_mem>>)
    %mul3A_62 = arith.constant 640 : i32
    %mul3A_63 = arith.muli %arg1, %mul3A_62 : i32
    %mul3A_64 = arith.constant 640 : i32
    %mul3A_65 = arith.muli %arg1, %mul3A_64 : i32
    %dma_start3A_66 = arith.constant 0 : i32
    %dma_start3A_67 = tpu.memref_slice %arg5[%arg0, %mul3A_65, %dma_start3A_66] : memref<2x10240x16xf32, #tpu.memory_space<hbm>> -> memref<1x640x16xf32, #tpu.memory_space<hbm>>
    %dma_start3A_68 = tpu.memref_squeeze %dma_start3A_67 : memref<1x640x16xf32, #tpu.memory_space<hbm>> -> memref<640x16xf32, #tpu.memory_space<hbm>>
    %dma_start3A_69 = arith.constant 0 : i32
    %dma_start3A_70 = tpu.memref_slice %arg11[%mul3A_63, %dma_start3A_69] : memref<10240x16xf32, #tpu.memory_space<vmem_shared>> -> memref<640x16xf32, #tpu.memory_space<vmem_shared>>
    tpu.enqueue_dma source(%dma_start3A_70 : memref<640x16xf32, #tpu.memory_space<vmem_shared>>) target(%dma_start3A_68 : memref<640x16xf32, #tpu.memory_space<hbm>>) target_semaphore(%arg13 : memref<!tpu.dma_semaphore, #tpu.memory_space<semaphore_mem>>)
    %dma_wait3A_71 = arith.constant 0 : i32
    %dma_wait3A_72 = tpu.memref_slice %arg4[%arg0, %mul3A_56, %dma_wait3A_71] : memref<2x10240x16xf32, #tpu.memory_space<hbm>> -> memref<1x640x16xf32, #tpu.memory_space<hbm>>
    %dma_wait3A_73 = tpu.memref_squeeze %dma_wait3A_72 : memref<1x640x16xf32, #tpu.memory_space<hbm>> -> memref<640x16xf32, #tpu.memory_space<hbm>>
    %dma_wait3A_74 = arith.constant 0 : i32
    %dma_wait3A_75 = tpu.memref_slice %arg10[%mul3A_54, %dma_wait3A_74] : memref<10240x16xf32, #tpu.memory_space<vmem_shared>> -> memref<640x16xf32, #tpu.memory_space<vmem_shared>>
    tpu.wait_dma2 semaphore(%arg12 : memref<!tpu.dma_semaphore, #tpu.memory_space<semaphore_mem>>) src(%dma_wait3A_75 : memref<640x16xf32, #tpu.memory_space<vmem_shared>>) dst(%dma_wait3A_73 : memref<640x16xf32, #tpu.memory_space<hbm>>)
    %dma_wait3A_76 = arith.constant 0 : i32
    %dma_wait3A_77 = tpu.memref_slice %arg5[%arg0, %mul3A_65, %dma_wait3A_76] : memref<2x10240x16xf32, #tpu.memory_space<hbm>> -> memref<1x640x16xf32, #tpu.memory_space<hbm>>
    %dma_wait3A_78 = tpu.memref_squeeze %dma_wait3A_77 : memref<1x640x16xf32, #tpu.memory_space<hbm>> -> memref<640x16xf32, #tpu.memory_space<hbm>>
    %dma_wait3A_79 = arith.constant 0 : i32
    %dma_wait3A_80 = tpu.memref_slice %arg11[%mul3A_63, %dma_wait3A_79] : memref<10240x16xf32, #tpu.memory_space<vmem_shared>> -> memref<640x16xf32, #tpu.memory_space<vmem_shared>>
    tpu.wait_dma2 semaphore(%arg13 : memref<!tpu.dma_semaphore, #tpu.memory_space<semaphore_mem>>) src(%dma_wait3A_80 : memref<640x16xf32, #tpu.memory_space<vmem_shared>>) dst(%dma_wait3A_78 : memref<640x16xf32, #tpu.memory_space<hbm>>)
    return
  }
}

module attributes {stable_mosaic.version = 14 : i64} {
  func.func @_tc1_body(%arg0: i32, %arg1: memref<2000x256xf32, #tpu.memory_space<vmem>>, %arg2: memref<1x1x2000xi32, #tpu.memory_space<vmem>>, %arg3: memref<64x256xf32, #tpu.memory_space<vmem>>, %arg4: memref<64x128xf32, #tpu.memory_space<vmem>>, %arg5: memref<64x256xf32, #tpu.memory_space<vmem>>, %arg6: memref<64x1xf32, #tpu.memory_space<vmem>>) attributes {dimension_semantics = [#tpu.dimension_semantics<arbitrary>], iteration_bounds = array<i64: 5>, scalar_prefetch = 0 : i64, scratch_operands = 2 : i64, tpu.core_type = #tpu.core_type<tc>, window_params = [{transform_indices = @transform_0, window_bounds = array<i64: 2000, 256>}, {transform_indices = @transform_1, window_bounds = array<i64: 1, 1, 2000>}, {pipeline_mode = #tpu.pipeline_mode<synchronous>, transform_indices = @transform_2, window_bounds = array<i64: 64, 256>}, {pipeline_mode = #tpu.pipeline_mode<synchronous>, transform_indices = @transform_3, window_bounds = array<i64: 64, 128>}]} {
    %eq3A = arith.constant 0 : i32
    %eq3A_0 = arith.cmpi eq, %arg0, %eq3A : i32
    %convert_element_type3A = arith.extui %eq3A_0 : i1 to i32
    %cond3A = arith.constant 0 : i32
    %cond3A_1 = arith.cmpi ne, %convert_element_type3A, %cond3A : i32
    scf.if %cond3A_1 {
      %broadcast_in_dim3A_32 = arith.constant 0.000000e+00 : f32
      %broadcast_in_dim3A_33 = vector.broadcast %broadcast_in_dim3A_32 : f32 to vector<64x256xf32>
      %swap3A_34 = arith.constant 0 : index
      %swap3A_35 = arith.constant 0 : index
      %swap3A_36 = vector.load %arg5[%swap3A_34, %swap3A_35] : memref<64x256xf32, #tpu.memory_space<vmem>>, vector<64x256xf32>
      tpu.vector_store %arg5[%swap3A_34, %swap3A_35], %broadcast_in_dim3A_33 {strides = array<i32>} : memref<64x256xf32, #tpu.memory_space<vmem>>, vector<64x256xf32>,
      %broadcast_in_dim3A_37 = arith.constant 0.000000e+00 : f32
      %broadcast_in_dim3A_38 = vector.broadcast %broadcast_in_dim3A_37 : f32 to vector<64x1xf32>
      %swap3A_39 = arith.constant 0 : index
      %swap3A_40 = arith.constant 0 : index
      %swap3A_41 = vector.load %arg6[%swap3A_39, %swap3A_40] : memref<64x1xf32, #tpu.memory_space<vmem>>, vector<64x1xf32>
      tpu.vector_store %arg6[%swap3A_39, %swap3A_40], %broadcast_in_dim3A_38 {strides = array<i32>} : memref<64x1xf32, #tpu.memory_space<vmem>>, vector<64x1xf32>,
    } else {
    }
    %get3A = arith.constant 0 : index
    %get3A_2 = arith.constant 0 : index
    %get3A_3 = arith.constant 0 : index
    %get3A_4 = vector.load %arg2[%get3A, %get3A_2, %get3A_3] : memref<1x1x2000xi32, #tpu.memory_space<vmem>>, vector<1x1x2000xi32>
    %get3A_5 = vector.shape_cast %get3A_4 : vector<1x1x2000xi32> to vector<1x2000xi32>
    %iota3A = tpu.iota {dimensions = array<i32: 0>} : vector<64x2000xi32>
    %eq3A_6 = vector.broadcast %get3A_5 : vector<1x2000xi32> to vector<64x2000xi32>
    %eq3A_7 = arith.cmpi eq, %eq3A_6, %iota3A : vector<64x2000xi32>
    %convert_element_type3A_8 = arith.extui %eq3A_7 : vector<64x2000xi1> to vector<64x2000xi32>
    %convert_element_type3A_9 = arith.sitofp %convert_element_type3A_8 : vector<64x2000xi32> to vector<64x2000xf32>
    %get3A_10 = arith.constant 0 : index
    %get3A_11 = arith.constant 0 : index
    %get3A_12 = vector.load %arg5[%get3A_10, %get3A_11] : memref<64x256xf32, #tpu.memory_space<vmem>>, vector<64x256xf32>
    %get3A_13 = arith.constant 0 : index
    %get3A_14 = arith.constant 0 : index
    %get3A_15 = vector.load %arg1[%get3A_13, %get3A_14] : memref<2000x256xf32, #tpu.memory_space<vmem>>, vector<2000x256xf32>
    %dot_general3A = arith.constant dense<0.000000e+00> : vector<64x256xf32>
    %dot_general3A_16 = tpu.matmul %convert_element_type3A_9, %get3A_15, %dot_general3A {dimension_numbers = #tpu.dot_dimension_numbers<[1], [0], [0], [1], [0, 0, 1, 1], [], []>, transpose_lhs_hint = false} : vector<64x2000xf32>, vector<2000x256xf32>, vector<64x256xf32> -> vector<64x256xf32>
    %add3A = arith.addf %get3A_12, %dot_general3A_16 : vector<64x256xf32>
    %swap3A = arith.constant 0 : index
    %swap3A_17 = arith.constant 0 : index
    %swap3A_18 = vector.load %arg5[%swap3A, %swap3A_17] : memref<64x256xf32, #tpu.memory_space<vmem>>, vector<64x256xf32>
    tpu.vector_store %arg5[%swap3A, %swap3A_17], %add3A {strides = array<i32>} : memref<64x256xf32, #tpu.memory_space<vmem>>, vector<64x256xf32>,
    %get3A_19 = arith.constant 0 : index
    %get3A_20 = arith.constant 0 : index
    %get3A_21 = vector.load %arg6[%get3A_19, %get3A_20] : memref<64x1xf32, #tpu.memory_space<vmem>>, vector<64x1xf32>
    %reduce_sum3A = arith.constant dense<0.000000e+00> : vector<64xf32>
    %reduce_sum3A_22 = vector.multi_reduction <add>, %convert_element_type3A_9, %reduce_sum3A [1] : vector<64x2000xf32> to vector<64xf32>
    %broadcast_in_dim3A = vector.shape_cast %reduce_sum3A_22 : vector<64xf32> to vector<64x1xf32>
    %add3A_23 = arith.addf %get3A_21, %broadcast_in_dim3A : vector<64x1xf32>
    %swap3A_24 = arith.constant 0 : index
    %swap3A_25 = arith.constant 0 : index
    %swap3A_26 = vector.load %arg6[%swap3A_24, %swap3A_25] : memref<64x1xf32, #tpu.memory_space<vmem>>, vector<64x1xf32>
    tpu.vector_store %arg6[%swap3A_24, %swap3A_25], %add3A_23 {strides = array<i32>} : memref<64x1xf32, #tpu.memory_space<vmem>>, vector<64x1xf32>,
    %eq3A_27 = arith.constant 4 : i32
    %eq3A_28 = arith.cmpi eq, %arg0, %eq3A_27 : i32
    %convert_element_type3A_29 = arith.extui %eq3A_28 : i1 to i32
    %cond3A_30 = arith.constant 0 : i32
    %cond3A_31 = arith.cmpi ne, %convert_element_type3A_29, %cond3A_30 : i32
    scf.if %cond3A_31 {
      %get3A_32 = arith.constant 0 : index
      %get3A_33 = arith.constant 0 : index
      %get3A_34 = vector.load %arg5[%get3A_32, %get3A_33] : memref<64x256xf32, #tpu.memory_space<vmem>>, vector<64x256xf32>
      %swap3A_35 = arith.constant 0 : index
      %swap3A_36 = arith.constant 0 : index
      %swap3A_37 = vector.load %arg3[%swap3A_35, %swap3A_36] : memref<64x256xf32, #tpu.memory_space<vmem>>, vector<64x256xf32>
      tpu.vector_store %arg3[%swap3A_35, %swap3A_36], %get3A_34 {strides = array<i32>} : memref<64x256xf32, #tpu.memory_space<vmem>>, vector<64x256xf32>,
      %get3A_38 = arith.constant 0 : index
      %get3A_39 = arith.constant 0 : index
      %get3A_40 = vector.load %arg6[%get3A_38, %get3A_39] : memref<64x1xf32, #tpu.memory_space<vmem>>, vector<64x1xf32>
      %broadcast_in_dim3A_41 = vector.shape_cast %get3A_40 : vector<64x1xf32> to vector<64x1xf32>
      %broadcast_in_dim3A_42 = vector.broadcast %broadcast_in_dim3A_41 : vector<64x1xf32> to vector<64x128xf32>
      %swap3A_43 = arith.constant 0 : index
      %swap3A_44 = arith.constant 0 : index
      %swap3A_45 = vector.load %arg4[%swap3A_43, %swap3A_44] : memref<64x128xf32, #tpu.memory_space<vmem>>, vector<64x128xf32>
      tpu.vector_store %arg4[%swap3A_43, %swap3A_44], %broadcast_in_dim3A_42 {strides = array<i32>} : memref<64x128xf32, #tpu.memory_space<vmem>>, vector<64x128xf32>,
    } else {
    }
    return
  }
  func.func @transform_0(%arg0: i32) -> (i32, i32) {
    %c0_i32 = arith.constant 0 : i32
    %c0_i32_0 = arith.constant 0 : i32
    return %arg0, %c0_i32 : i32, i32
  }
  func.func @transform_1(%arg0: i32) -> (i32, i32, i32) {
    %c0_i32 = arith.constant 0 : i32
    %c0_i32_0 = arith.constant 0 : i32
    %c0_i32_1 = arith.constant 0 : i32
    return %arg0, %c0_i32, %c0_i32_0 : i32, i32, i32
  }
  func.func @transform_2(%arg0: i32) -> (i32, i32) {
    %c0_i32 = arith.constant 0 : i32
    %c0_i32_0 = arith.constant 0 : i32
    %c0_i32_1 = arith.constant 0 : i32
    return %c0_i32, %c0_i32_0 : i32, i32
  }
  func.func @transform_3(%arg0: i32) -> (i32, i32) {
    %c0_i32 = arith.constant 0 : i32
    %c0_i32_0 = arith.constant 0 : i32
    %c0_i32_1 = arith.constant 0 : i32
    return %c0_i32, %c0_i32_0 : i32, i32
  }
}

module attributes {stable_mosaic.version = 14 : i64} {
  func.func @_tc2_body(%arg0: memref<8x1280xi32, #tpu.memory_space<vmem>>, %arg1: memref<64x64xf32, #tpu.memory_space<vmem>>, %arg2: memref<2x1280x128xf32, #tpu.memory_space<vmem>>, %arg3: memref<2x1280x128xf32, #tpu.memory_space<vmem>>, %arg4: memref<64x256xf32, #tpu.memory_space<vmem>>, %arg5: memref<64x128xf32, #tpu.memory_space<vmem>>, %arg6: memref<512x336xf32, #tpu.memory_space<vmem>>, %arg7: memref<1x512xf32, #tpu.memory_space<vmem>>, %arg8: memref<3x512x512xf32, #tpu.memory_space<vmem>>, %arg9: memref<3x1x512xf32, #tpu.memory_space<vmem>>, %arg10: memref<256x512xf32, #tpu.memory_space<vmem>>, %arg11: memref<1x256xf32, #tpu.memory_space<vmem>>, %arg12: memref<1x256xf32, #tpu.memory_space<vmem>>, %arg13: memref<64x256xf32, #tpu.memory_space<vmem>>) attributes {dimension_semantics = [], scalar_prefetch = 0 : i64, scratch_operands = 0 : i64, tpu.core_type = #tpu.core_type<tc>} {
    %get3A = arith.constant 0 : index
    %get3A_0 = arith.constant 0 : index
    %get3A_1 = arith.constant 0 : index
    %get3A_2 = vector.load %arg3[%get3A, %get3A_0, %get3A_1] : memref<2x1280x128xf32, #tpu.memory_space<vmem>>, vector<1x1280x128xf32>
    %get3A_3 = vector.shape_cast %get3A_2 : vector<1x1280x128xf32> to vector<1280x128xf32>
    %get3A_4 = arith.constant 1 : index
    %get3A_5 = arith.constant 0 : index
    %get3A_6 = arith.constant 0 : index
    %get3A_7 = vector.load %arg3[%get3A_4, %get3A_5, %get3A_6] : memref<2x1280x128xf32, #tpu.memory_space<vmem>>, vector<1x1280x128xf32>
    %get3A_8 = vector.shape_cast %get3A_7 : vector<1x1280x128xf32> to vector<1280x128xf32>
    %add3A = arith.addf %get3A_3, %get3A_8 : vector<1280x128xf32>
    %iota3A = tpu.iota {dimensions = array<i32: 0>} : vector<128x128xi32>
    %iota3A_9 = tpu.iota {dimensions = array<i32: 1>} : vector<128x128xi32>
    %jit3A = arith.constant 16 : i32
    %div3A = vector.broadcast %jit3A : i32 to vector<128x128xi32>
    %div3A_10 = arith.divsi %iota3A_9, %div3A : vector<128x128xi32>
    %sign3A = arith.constant 0 : i32
    %sign3A_11 = vector.broadcast %sign3A : i32 to vector<128x128xi32>
    %sign3A_12 = arith.cmpi sgt, %iota3A_9, %sign3A_11 : vector<128x128xi32>
    %sign3A_13 = arith.extui %sign3A_12 : vector<128x128xi1> to vector<128x128xi32>
    %sign3A_14 = arith.constant 0 : i32
    %sign3A_15 = vector.broadcast %sign3A_14 : i32 to vector<128x128xi32>
    %sign3A_16 = arith.cmpi slt, %iota3A_9, %sign3A_15 : vector<128x128xi32>
    %sign3A_17 = arith.extui %sign3A_16 : vector<128x128xi1> to vector<128x128xi32>
    %sign3A_18 = arith.subi %sign3A_13, %sign3A_17 : vector<128x128xi32>
    %sign3A_19 = arith.constant 0 : i32
    %sign3A_20 = arith.cmpi sgt, %jit3A, %sign3A_19 : i32
    %sign3A_21 = arith.extui %sign3A_20 : i1 to i32
    %sign3A_22 = arith.constant 0 : i32
    %sign3A_23 = arith.cmpi slt, %jit3A, %sign3A_22 : i32
    %sign3A_24 = arith.extui %sign3A_23 : i1 to i32
    %sign3A_25 = arith.subi %sign3A_21, %sign3A_24 : i32
    %ne3A = vector.broadcast %sign3A_25 : i32 to vector<128x128xi32>
    %ne3A_26 = arith.cmpi ne, %sign3A_18, %ne3A : vector<128x128xi32>
    %rem3A = vector.broadcast %jit3A : i32 to vector<128x128xi32>
    %rem3A_27 = arith.remsi %iota3A_9, %rem3A : vector<128x128xi32>
    %ne3A_28 = arith.constant 0 : i32
    %ne3A_29 = vector.broadcast %ne3A_28 : i32 to vector<128x128xi32>
    %ne3A_30 = arith.cmpi ne, %rem3A_27, %ne3A_29 : vector<128x128xi32>
    %and3A = arith.andi %ne3A_26, %ne3A_30 : vector<128x128xi1>
    %sub3A = arith.constant 1 : i32
    %sub3A_31 = vector.broadcast %sub3A : i32 to vector<128x128xi32>
    %sub3A_32 = arith.subi %div3A_10, %sub3A_31 : vector<128x128xi32>
    %select_n3A = arith.select %and3A, %sub3A_32, %div3A_10 : vector<128x128xi1>, vector<128x128xi32>
    %mul3A = arith.constant 16 : i32
    %mul3A_33 = vector.broadcast %mul3A : i32 to vector<128x128xi32>
    %mul3A_34 = arith.muli %select_n3A, %mul3A_33 : vector<128x128xi32>
    %eq3A = arith.cmpi eq, %iota3A, %mul3A_34 : vector<128x128xi32>
    %convert_element_type3A = arith.extui %eq3A : vector<128x128xi1> to vector<128x128xi32>
    %convert_element_type3A_35 = arith.sitofp %convert_element_type3A : vector<128x128xi32> to vector<128x128xf32>
    %dot_general3A = arith.constant dense<0.000000e+00> : vector<1280x128xf32>
    %dot_general3A_36 = tpu.matmul %add3A, %convert_element_type3A_35, %dot_general3A {dimension_numbers = #tpu.dot_dimension_numbers<[1], [0], [0], [1], [0, 0, 1, 1], [], []>, transpose_lhs_hint = false} : vector<1280x128xf32>, vector<128x128xf32>, vector<1280x128xf32> -> vector<1280x128xf32>
    %get3A_37 = arith.constant 0 : index
    %get3A_38 = arith.constant 0 : index
    %get3A_39 = arith.constant 0 : index
    %get3A_40 = vector.load %arg2[%get3A_37, %get3A_38, %get3A_39] : memref<2x1280x128xf32, #tpu.memory_space<vmem>>, vector<1x1280x128xf32>
    %get3A_41 = vector.shape_cast %get3A_40 : vector<1x1280x128xf32> to vector<1280x128xf32>
    %get3A_42 = arith.constant 1 : index
    %get3A_43 = arith.constant 0 : index
    %get3A_44 = arith.constant 0 : index
    %get3A_45 = vector.load %arg2[%get3A_42, %get3A_43, %get3A_44] : memref<2x1280x128xf32, #tpu.memory_space<vmem>>, vector<1x1280x128xf32>
    %get3A_46 = vector.shape_cast %get3A_45 : vector<1x1280x128xf32> to vector<1280x128xf32>
    %add3A_47 = arith.addf %get3A_41, %get3A_46 : vector<1280x128xf32>
    %max3A = arith.constant 1.000000e+00 : f32
    %max3A_48 = vector.broadcast %max3A : f32 to vector<1280x128xf32>
    %max3A_49 = arith.maximumf %dot_general3A_36, %max3A_48 : vector<1280x128xf32>
    %div3A_50 = arith.divf %add3A_47, %max3A_49 : vector<1280x128xf32>
    %iota3A_51 = tpu.iota {dimensions = array<i32: 0>} : vector<64x1280xi32>
    %broadcast_in_dim3A = arith.constant 0.000000e+00 : f32
    %broadcast_in_dim3A_52 = vector.broadcast %broadcast_in_dim3A : f32 to vector<64x16xf32>
    %get3A_53 = arith.constant 0 : index
    %get3A_54 = arith.constant 0 : index
    %get3A_55 = vector.load %arg0[%get3A_53, %get3A_54] : memref<8x1280xi32, #tpu.memory_space<vmem>>, vector<1x1280xi32>
    %eq3A_56 = vector.broadcast %get3A_55 : vector<1x1280xi32> to vector<64x1280xi32>
    %eq3A_57 = arith.cmpi eq, %eq3A_56, %iota3A_51 : vector<64x1280xi32>
    %convert_element_type3A_58 = arith.extui %eq3A_57 : vector<64x1280xi1> to vector<64x1280xi32>
    %convert_element_type3A_59 = arith.sitofp %convert_element_type3A_58 : vector<64x1280xi32> to vector<64x1280xf32>
    %slice3A = vector.extract_strided_slice %div3A_50 {offsets = [0, 0], sizes = [1280, 16], strides = [1, 1]} : vector<1280x128xf32> to vector<1280x16xf32>
    %dot_general3A_60 = arith.constant dense<0.000000e+00> : vector<64x16xf32>
    %dot_general3A_61 = tpu.matmul %convert_element_type3A_59, %slice3A, %dot_general3A_60 {dimension_numbers = #tpu.dot_dimension_numbers<[1], [0], [0], [1], [0, 0, 1, 1], [], []>, transpose_lhs_hint = false} : vector<64x1280xf32>, vector<1280x16xf32>, vector<64x16xf32> -> vector<64x16xf32>
    %add3A_62 = arith.addf %broadcast_in_dim3A_52, %dot_general3A_61 : vector<64x16xf32>
    %get3A_63 = arith.constant 1 : index
    %get3A_64 = arith.constant 0 : index
    %get3A_65 = vector.load %arg0[%get3A_63, %get3A_64] : memref<8x1280xi32, #tpu.memory_space<vmem>>, vector<1x1280xi32>
    %eq3A_66 = vector.broadcast %get3A_65 : vector<1x1280xi32> to vector<64x1280xi32>
    %eq3A_67 = arith.cmpi eq, %eq3A_66, %iota3A_51 : vector<64x1280xi32>
    %convert_element_type3A_68 = arith.extui %eq3A_67 : vector<64x1280xi1> to vector<64x1280xi32>
    %convert_element_type3A_69 = arith.sitofp %convert_element_type3A_68 : vector<64x1280xi32> to vector<64x1280xf32>
    %slice3A_70 = vector.extract_strided_slice %div3A_50 {offsets = [0, 16], sizes = [1280, 16], strides = [1, 1]} : vector<1280x128xf32> to vector<1280x16xf32>
    %dot_general3A_71 = arith.constant dense<0.000000e+00> : vector<64x16xf32>
    %dot_general3A_72 = tpu.matmul %convert_element_type3A_69, %slice3A_70, %dot_general3A_71 {dimension_numbers = #tpu.dot_dimension_numbers<[1], [0], [0], [1], [0, 0, 1, 1], [], []>, transpose_lhs_hint = false} : vector<64x1280xf32>, vector<1280x16xf32>, vector<64x16xf32> -> vector<64x16xf32>
    %add3A_73 = arith.addf %add3A_62, %dot_general3A_72 : vector<64x16xf32>
    %get3A_74 = arith.constant 2 : index
    %get3A_75 = arith.constant 0 : index
    %get3A_76 = vector.load %arg0[%get3A_74, %get3A_75] : memref<8x1280xi32, #tpu.memory_space<vmem>>, vector<1x1280xi32>
    %eq3A_77 = vector.broadcast %get3A_76 : vector<1x1280xi32> to vector<64x1280xi32>
    %eq3A_78 = arith.cmpi eq, %eq3A_77, %iota3A_51 : vector<64x1280xi32>
    %convert_element_type3A_79 = arith.extui %eq3A_78 : vector<64x1280xi1> to vector<64x1280xi32>
    %convert_element_type3A_80 = arith.sitofp %convert_element_type3A_79 : vector<64x1280xi32> to vector<64x1280xf32>
    %slice3A_81 = vector.extract_strided_slice %div3A_50 {offsets = [0, 32], sizes = [1280, 16], strides = [1, 1]} : vector<1280x128xf32> to vector<1280x16xf32>
    %dot_general3A_82 = arith.constant dense<0.000000e+00> : vector<64x16xf32>
    %dot_general3A_83 = tpu.matmul %convert_element_type3A_80, %slice3A_81, %dot_general3A_82 {dimension_numbers = #tpu.dot_dimension_numbers<[1], [0], [0], [1], [0, 0, 1, 1], [], []>, transpose_lhs_hint = false} : vector<64x1280xf32>, vector<1280x16xf32>, vector<64x16xf32> -> vector<64x16xf32>
    %add3A_84 = arith.addf %add3A_73, %dot_general3A_83 : vector<64x16xf32>
    %get3A_85 = arith.constant 3 : index
    %get3A_86 = arith.constant 0 : index
    %get3A_87 = vector.load %arg0[%get3A_85, %get3A_86] : memref<8x1280xi32, #tpu.memory_space<vmem>>, vector<1x1280xi32>
    %eq3A_88 = vector.broadcast %get3A_87 : vector<1x1280xi32> to vector<64x1280xi32>
    %eq3A_89 = arith.cmpi eq, %eq3A_88, %iota3A_51 : vector<64x1280xi32>
    %convert_element_type3A_90 = arith.extui %eq3A_89 : vector<64x1280xi1> to vector<64x1280xi32>
    %convert_element_type3A_91 = arith.sitofp %convert_element_type3A_90 : vector<64x1280xi32> to vector<64x1280xf32>
    %slice3A_92 = vector.extract_strided_slice %div3A_50 {offsets = [0, 48], sizes = [1280, 16], strides = [1, 1]} : vector<1280x128xf32> to vector<1280x16xf32>
    %dot_general3A_93 = arith.constant dense<0.000000e+00> : vector<64x16xf32>
    %dot_general3A_94 = tpu.matmul %convert_element_type3A_91, %slice3A_92, %dot_general3A_93 {dimension_numbers = #tpu.dot_dimension_numbers<[1], [0], [0], [1], [0, 0, 1, 1], [], []>, transpose_lhs_hint = false} : vector<64x1280xf32>, vector<1280x16xf32>, vector<64x16xf32> -> vector<64x16xf32>
    %add3A_95 = arith.addf %add3A_84, %dot_general3A_94 : vector<64x16xf32>
    %get3A_96 = arith.constant 4 : index
    %get3A_97 = arith.constant 0 : index
    %get3A_98 = vector.load %arg0[%get3A_96, %get3A_97] : memref<8x1280xi32, #tpu.memory_space<vmem>>, vector<1x1280xi32>
    %eq3A_99 = vector.broadcast %get3A_98 : vector<1x1280xi32> to vector<64x1280xi32>
    %eq3A_100 = arith.cmpi eq, %eq3A_99, %iota3A_51 : vector<64x1280xi32>
    %convert_element_type3A_101 = arith.extui %eq3A_100 : vector<64x1280xi1> to vector<64x1280xi32>
    %convert_element_type3A_102 = arith.sitofp %convert_element_type3A_101 : vector<64x1280xi32> to vector<64x1280xf32>
    %slice3A_103 = vector.extract_strided_slice %div3A_50 {offsets = [0, 64], sizes = [1280, 16], strides = [1, 1]} : vector<1280x128xf32> to vector<1280x16xf32>
    %dot_general3A_104 = arith.constant dense<0.000000e+00> : vector<64x16xf32>
    %dot_general3A_105 = tpu.matmul %convert_element_type3A_102, %slice3A_103, %dot_general3A_104 {dimension_numbers = #tpu.dot_dimension_numbers<[1], [0], [0], [1], [0, 0, 1, 1], [], []>, transpose_lhs_hint = false} : vector<64x1280xf32>, vector<1280x16xf32>, vector<64x16xf32> -> vector<64x16xf32>
    %add3A_106 = arith.addf %add3A_95, %dot_general3A_105 : vector<64x16xf32>
    %get3A_107 = arith.constant 5 : index
    %get3A_108 = arith.constant 0 : index
    %get3A_109 = vector.load %arg0[%get3A_107, %get3A_108] : memref<8x1280xi32, #tpu.memory_space<vmem>>, vector<1x1280xi32>
    %eq3A_110 = vector.broadcast %get3A_109 : vector<1x1280xi32> to vector<64x1280xi32>
    %eq3A_111 = arith.cmpi eq, %eq3A_110, %iota3A_51 : vector<64x1280xi32>
    %convert_element_type3A_112 = arith.extui %eq3A_111 : vector<64x1280xi1> to vector<64x1280xi32>
    %convert_element_type3A_113 = arith.sitofp %convert_element_type3A_112 : vector<64x1280xi32> to vector<64x1280xf32>
    %slice3A_114 = vector.extract_strided_slice %div3A_50 {offsets = [0, 80], sizes = [1280, 16], strides = [1, 1]} : vector<1280x128xf32> to vector<1280x16xf32>
    %dot_general3A_115 = arith.constant dense<0.000000e+00> : vector<64x16xf32>
    %dot_general3A_116 = tpu.matmul %convert_element_type3A_113, %slice3A_114, %dot_general3A_115 {dimension_numbers = #tpu.dot_dimension_numbers<[1], [0], [0], [1], [0, 0, 1, 1], [], []>, transpose_lhs_hint = false} : vector<64x1280xf32>, vector<1280x16xf32>, vector<64x16xf32> -> vector<64x16xf32>
    %add3A_117 = arith.addf %add3A_106, %dot_general3A_116 : vector<64x16xf32>
    %get3A_118 = arith.constant 6 : index
    %get3A_119 = arith.constant 0 : index
    %get3A_120 = vector.load %arg0[%get3A_118, %get3A_119] : memref<8x1280xi32, #tpu.memory_space<vmem>>, vector<1x1280xi32>
    %eq3A_121 = vector.broadcast %get3A_120 : vector<1x1280xi32> to vector<64x1280xi32>
    %eq3A_122 = arith.cmpi eq, %eq3A_121, %iota3A_51 : vector<64x1280xi32>
    %convert_element_type3A_123 = arith.extui %eq3A_122 : vector<64x1280xi1> to vector<64x1280xi32>
    %convert_element_type3A_124 = arith.sitofp %convert_element_type3A_123 : vector<64x1280xi32> to vector<64x1280xf32>
    %slice3A_125 = vector.extract_strided_slice %div3A_50 {offsets = [0, 96], sizes = [1280, 16], strides = [1, 1]} : vector<1280x128xf32> to vector<1280x16xf32>
    %dot_general3A_126 = arith.constant dense<0.000000e+00> : vector<64x16xf32>
    %dot_general3A_127 = tpu.matmul %convert_element_type3A_124, %slice3A_125, %dot_general3A_126 {dimension_numbers = #tpu.dot_dimension_numbers<[1], [0], [0], [1], [0, 0, 1, 1], [], []>, transpose_lhs_hint = false} : vector<64x1280xf32>, vector<1280x16xf32>, vector<64x16xf32> -> vector<64x16xf32>
    %add3A_128 = arith.addf %add3A_117, %dot_general3A_127 : vector<64x16xf32>
    %get3A_129 = arith.constant 7 : index
    %get3A_130 = arith.constant 0 : index
    %get3A_131 = vector.load %arg0[%get3A_129, %get3A_130] : memref<8x1280xi32, #tpu.memory_space<vmem>>, vector<1x1280xi32>
    %eq3A_132 = vector.broadcast %get3A_131 : vector<1x1280xi32> to vector<64x1280xi32>
    %eq3A_133 = arith.cmpi eq, %eq3A_132, %iota3A_51 : vector<64x1280xi32>
    %convert_element_type3A_134 = arith.extui %eq3A_133 : vector<64x1280xi1> to vector<64x1280xi32>
    %convert_element_type3A_135 = arith.sitofp %convert_element_type3A_134 : vector<64x1280xi32> to vector<64x1280xf32>
    %slice3A_136 = vector.extract_strided_slice %div3A_50 {offsets = [0, 112], sizes = [1280, 16], strides = [1, 1]} : vector<1280x128xf32> to vector<1280x16xf32>
    %dot_general3A_137 = arith.constant dense<0.000000e+00> : vector<64x16xf32>
    %dot_general3A_138 = tpu.matmul %convert_element_type3A_135, %slice3A_136, %dot_general3A_137 {dimension_numbers = #tpu.dot_dimension_numbers<[1], [0], [0], [1], [0, 0, 1, 1], [], []>, transpose_lhs_hint = false} : vector<64x1280xf32>, vector<1280x16xf32>, vector<64x16xf32> -> vector<64x16xf32>
    %add3A_139 = arith.addf %add3A_128, %dot_general3A_138 : vector<64x16xf32>
    %get3A_140 = arith.constant 0 : index
    %get3A_141 = arith.constant 0 : index
    %get3A_142 = vector.load %arg5[%get3A_140, %get3A_141] : memref<64x128xf32, #tpu.memory_space<vmem>>, vector<64x1xf32>
    %max3A_143 = arith.constant 1.000000e+00 : f32
    %max3A_144 = vector.broadcast %max3A_143 : f32 to vector<64x1xf32>
    %max3A_145 = arith.maximumf %get3A_142, %max3A_144 : vector<64x1xf32>
    %get3A_146 = arith.constant 0 : index
    %get3A_147 = arith.constant 0 : index
    %get3A_148 = vector.load %arg4[%get3A_146, %get3A_147] : memref<64x256xf32, #tpu.memory_space<vmem>>, vector<64x256xf32>
    %div3A_149 = vector.broadcast %max3A_145 : vector<64x1xf32> to vector<64x256xf32>
    %div3A_150 = arith.divf %get3A_148, %div3A_149 : vector<64x256xf32>
    %div3A_151 = vector.broadcast %max3A_145 : vector<64x1xf32> to vector<64x16xf32>
    %div3A_152 = arith.divf %add3A_139, %div3A_151 : vector<64x16xf32>
    %get3A_153 = arith.constant 0 : index
    %get3A_154 = arith.constant 0 : index
    %get3A_155 = vector.load %arg1[%get3A_153, %get3A_154] : memref<64x64xf32, #tpu.memory_space<vmem>>, vector<64x64xf32>
    %concatenate3A = tpu.concatenate %get3A_155, %div3A_150, %div3A_152 in 1 : vector<64x64xf32>, vector<64x256xf32>, vector<64x16xf32> -> vector<64x336xf32>
    %get3A_156 = arith.constant 0 : index
    %get3A_157 = arith.constant 0 : index
    %get3A_158 = vector.load %arg6[%get3A_156, %get3A_157] : memref<512x336xf32, #tpu.memory_space<vmem>>, vector<512x336xf32>
    %dot_general3A_159 = arith.constant dense<0.000000e+00> : vector<64x512xf32>
    %dot_general3A_160 = tpu.matmul %concatenate3A, %get3A_158, %dot_general3A_159 {dimension_numbers = #tpu.dot_dimension_numbers<[1], [1], [0], [0], [0, 0, 1, 0], [], []>, transpose_lhs_hint = false} : vector<64x336xf32>, vector<512x336xf32>, vector<64x512xf32> -> vector<64x512xf32>
    %get3A_161 = arith.constant 0 : index
    %get3A_162 = arith.constant 0 : index
    %get3A_163 = vector.load %arg7[%get3A_161, %get3A_162] : memref<1x512xf32, #tpu.memory_space<vmem>>, vector<1x512xf32>
    %add3A_164 = vector.broadcast %get3A_163 : vector<1x512xf32> to vector<64x512xf32>
    %add3A_165 = arith.addf %dot_general3A_160, %add3A_164 : vector<64x512xf32>
    %gt3A = arith.constant 0.000000e+00 : f32
    %gt3A_166 = vector.broadcast %gt3A : f32 to vector<64x512xf32>
    %gt3A_167 = arith.cmpf ogt, %add3A_165, %gt3A_166 : vector<64x512xf32>
    %exp3A = math.exp %add3A_165 : vector<64x512xf32>
    %sub3A_168 = arith.constant 1.000000e+00 : f32
    %sub3A_169 = vector.broadcast %sub3A_168 : f32 to vector<64x512xf32>
    %sub3A_170 = arith.subf %exp3A, %sub3A_169 : vector<64x512xf32>
    %select_n3A_171 = arith.select %gt3A_167, %add3A_165, %sub3A_170 : vector<64x512xi1>, vector<64x512xf32>
    %get3A_172 = arith.constant 0 : index
    %get3A_173 = arith.constant 0 : index
    %get3A_174 = arith.constant 0 : index
    %get3A_175 = vector.load %arg8[%get3A_172, %get3A_173, %get3A_174] : memref<3x512x512xf32, #tpu.memory_space<vmem>>, vector<1x512x512xf32>
    %get3A_176 = vector.shape_cast %get3A_175 : vector<1x512x512xf32> to vector<512x512xf32>
    %dot_general3A_177 = arith.constant dense<0.000000e+00> : vector<64x512xf32>
    %dot_general3A_178 = tpu.matmul %select_n3A_171, %get3A_176, %dot_general3A_177 {dimension_numbers = #tpu.dot_dimension_numbers<[1], [1], [0], [0], [0, 0, 1, 0], [], []>, transpose_lhs_hint = false} : vector<64x512xf32>, vector<512x512xf32>, vector<64x512xf32> -> vector<64x512xf32>
    %get3A_179 = arith.constant 0 : index
    %get3A_180 = arith.constant 0 : index
    %get3A_181 = arith.constant 0 : index
    %get3A_182 = vector.load %arg9[%get3A_179, %get3A_180, %get3A_181] : memref<3x1x512xf32, #tpu.memory_space<vmem>>, vector<1x1x512xf32>
    %get3A_183 = vector.shape_cast %get3A_182 : vector<1x1x512xf32> to vector<1x512xf32>
    %add3A_184 = vector.broadcast %get3A_183 : vector<1x512xf32> to vector<64x512xf32>
    %add3A_185 = arith.addf %dot_general3A_178, %add3A_184 : vector<64x512xf32>
    %gt3A_186 = arith.constant 0.000000e+00 : f32
    %gt3A_187 = vector.broadcast %gt3A_186 : f32 to vector<64x512xf32>
    %gt3A_188 = arith.cmpf ogt, %add3A_185, %gt3A_187 : vector<64x512xf32>
    %exp3A_189 = math.exp %add3A_185 : vector<64x512xf32>
    %sub3A_190 = arith.constant 1.000000e+00 : f32
    %sub3A_191 = vector.broadcast %sub3A_190 : f32 to vector<64x512xf32>
    %sub3A_192 = arith.subf %exp3A_189, %sub3A_191 : vector<64x512xf32>
    %select_n3A_193 = arith.select %gt3A_188, %add3A_185, %sub3A_192 : vector<64x512xi1>, vector<64x512xf32>
    %get3A_194 = arith.constant 1 : index
    %get3A_195 = arith.constant 0 : index
    %get3A_196 = arith.constant 0 : index
    %get3A_197 = vector.load %arg8[%get3A_194, %get3A_195, %get3A_196] : memref<3x512x512xf32, #tpu.memory_space<vmem>>, vector<1x512x512xf32>
    %get3A_198 = vector.shape_cast %get3A_197 : vector<1x512x512xf32> to vector<512x512xf32>
    %dot_general3A_199 = arith.constant dense<0.000000e+00> : vector<64x512xf32>
    %dot_general3A_200 = tpu.matmul %select_n3A_193, %get3A_198, %dot_general3A_199 {dimension_numbers = #tpu.dot_dimension_numbers<[1], [1], [0], [0], [0, 0, 1, 0], [], []>, transpose_lhs_hint = false} : vector<64x512xf32>, vector<512x512xf32>, vector<64x512xf32> -> vector<64x512xf32>
    %get3A_201 = arith.constant 1 : index
    %get3A_202 = arith.constant 0 : index
    %get3A_203 = arith.constant 0 : index
    %get3A_204 = vector.load %arg9[%get3A_201, %get3A_202, %get3A_203] : memref<3x1x512xf32, #tpu.memory_space<vmem>>, vector<1x1x512xf32>
    %get3A_205 = vector.shape_cast %get3A_204 : vector<1x1x512xf32> to vector<1x512xf32>
    %add3A_206 = vector.broadcast %get3A_205 : vector<1x512xf32> to vector<64x512xf32>
    %add3A_207 = arith.addf %dot_general3A_200, %add3A_206 : vector<64x512xf32>
    %gt3A_208 = arith.constant 0.000000e+00 : f32
    %gt3A_209 = vector.broadcast %gt3A_208 : f32 to vector<64x512xf32>
    %gt3A_210 = arith.cmpf ogt, %add3A_207, %gt3A_209 : vector<64x512xf32>
    %exp3A_211 = math.exp %add3A_207 : vector<64x512xf32>
    %sub3A_212 = arith.constant 1.000000e+00 : f32
    %sub3A_213 = vector.broadcast %sub3A_212 : f32 to vector<64x512xf32>
    %sub3A_214 = arith.subf %exp3A_211, %sub3A_213 : vector<64x512xf32>
    %select_n3A_215 = arith.select %gt3A_210, %add3A_207, %sub3A_214 : vector<64x512xi1>, vector<64x512xf32>
    %get3A_216 = arith.constant 2 : index
    %get3A_217 = arith.constant 0 : index
    %get3A_218 = arith.constant 0 : index
    %get3A_219 = vector.load %arg8[%get3A_216, %get3A_217, %get3A_218] : memref<3x512x512xf32, #tpu.memory_space<vmem>>, vector<1x512x512xf32>
    %get3A_220 = vector.shape_cast %get3A_219 : vector<1x512x512xf32> to vector<512x512xf32>
    %dot_general3A_221 = arith.constant dense<0.000000e+00> : vector<64x512xf32>
    %dot_general3A_222 = tpu.matmul %select_n3A_215, %get3A_220, %dot_general3A_221 {dimension_numbers = #tpu.dot_dimension_numbers<[1], [1], [0], [0], [0, 0, 1, 0], [], []>, transpose_lhs_hint = false} : vector<64x512xf32>, vector<512x512xf32>, vector<64x512xf32> -> vector<64x512xf32>
    %get3A_223 = arith.constant 2 : index
    %get3A_224 = arith.constant 0 : index
    %get3A_225 = arith.constant 0 : index
    %get3A_226 = vector.load %arg9[%get3A_223, %get3A_224, %get3A_225] : memref<3x1x512xf32, #tpu.memory_space<vmem>>, vector<1x1x512xf32>
    %get3A_227 = vector.shape_cast %get3A_226 : vector<1x1x512xf32> to vector<1x512xf32>
    %add3A_228 = vector.broadcast %get3A_227 : vector<1x512xf32> to vector<64x512xf32>
    %add3A_229 = arith.addf %dot_general3A_222, %add3A_228 : vector<64x512xf32>
    %gt3A_230 = arith.constant 0.000000e+00 : f32
    %gt3A_231 = vector.broadcast %gt3A_230 : f32 to vector<64x512xf32>
    %gt3A_232 = arith.cmpf ogt, %add3A_229, %gt3A_231 : vector<64x512xf32>
    %exp3A_233 = math.exp %add3A_229 : vector<64x512xf32>
    %sub3A_234 = arith.constant 1.000000e+00 : f32
    %sub3A_235 = vector.broadcast %sub3A_234 : f32 to vector<64x512xf32>
    %sub3A_236 = arith.subf %exp3A_233, %sub3A_235 : vector<64x512xf32>
    %select_n3A_237 = arith.select %gt3A_232, %add3A_229, %sub3A_236 : vector<64x512xi1>, vector<64x512xf32>
    %add3A_238 = arith.addf %select_n3A_237, %select_n3A_171 : vector<64x512xf32>
    %get3A_239 = arith.constant 0 : index
    %get3A_240 = arith.constant 0 : index
    %get3A_241 = vector.load %arg10[%get3A_239, %get3A_240] : memref<256x512xf32, #tpu.memory_space<vmem>>, vector<256x512xf32>
    %dot_general3A_242 = arith.constant dense<0.000000e+00> : vector<64x256xf32>
    %dot_general3A_243 = tpu.matmul %add3A_238, %get3A_241, %dot_general3A_242 {dimension_numbers = #tpu.dot_dimension_numbers<[1], [1], [0], [0], [0, 0, 1, 0], [], []>, transpose_lhs_hint = false} : vector<64x512xf32>, vector<256x512xf32>, vector<64x256xf32> -> vector<64x256xf32>
    %reduce_sum3A = arith.constant dense<0.000000e+00> : vector<64xf32>
    %reduce_sum3A_244 = vector.multi_reduction <add>, %dot_general3A_243, %reduce_sum3A [1] : vector<64x256xf32> to vector<64xf32>
    %broadcast_in_dim3A_245 = vector.shape_cast %reduce_sum3A_244 : vector<64xf32> to vector<64x1xf32>
    %div3A_246 = arith.constant 2.560000e+02 : f32
    %div3A_247 = vector.broadcast %div3A_246 : f32 to vector<64x1xf32>
    %div3A_248 = arith.divf %broadcast_in_dim3A_245, %div3A_247 : vector<64x1xf32>
    %sub3A_249 = vector.broadcast %div3A_248 : vector<64x1xf32> to vector<64x256xf32>
    %sub3A_250 = arith.subf %dot_general3A_243, %sub3A_249 : vector<64x256xf32>
    %integer_pow3A = arith.mulf %sub3A_250, %sub3A_250 : vector<64x256xf32>
    %reduce_sum3A_251 = arith.constant dense<0.000000e+00> : vector<64xf32>
    %reduce_sum3A_252 = vector.multi_reduction <add>, %integer_pow3A, %reduce_sum3A_251 [1] : vector<64x256xf32> to vector<64xf32>
    %broadcast_in_dim3A_253 = vector.shape_cast %reduce_sum3A_252 : vector<64xf32> to vector<64x1xf32>
    %div3A_254 = arith.constant 2.560000e+02 : f32
    %div3A_255 = vector.broadcast %div3A_254 : f32 to vector<64x1xf32>
    %div3A_256 = arith.divf %broadcast_in_dim3A_253, %div3A_255 : vector<64x1xf32>
    %sub3A_257 = vector.broadcast %div3A_248 : vector<64x1xf32> to vector<64x256xf32>
    %sub3A_258 = arith.subf %dot_general3A_243, %sub3A_257 : vector<64x256xf32>
    %add3A_259 = arith.constant 9.99999974E-6 : f32
    %add3A_260 = vector.broadcast %add3A_259 : f32 to vector<64x1xf32>
    %add3A_261 = arith.addf %div3A_256, %add3A_260 : vector<64x1xf32>
    %sqrt3A = math.sqrt %add3A_261 : vector<64x1xf32>
    %div3A_262 = vector.broadcast %sqrt3A : vector<64x1xf32> to vector<64x256xf32>
    %div3A_263 = arith.divf %sub3A_258, %div3A_262 : vector<64x256xf32>
    %get3A_264 = arith.constant 0 : index
    %get3A_265 = arith.constant 0 : index
    %get3A_266 = vector.load %arg11[%get3A_264, %get3A_265] : memref<1x256xf32, #tpu.memory_space<vmem>>, vector<1x256xf32>
    %mul3A_267 = vector.broadcast %get3A_266 : vector<1x256xf32> to vector<64x256xf32>
    %mul3A_268 = arith.mulf %div3A_263, %mul3A_267 : vector<64x256xf32>
    %get3A_269 = arith.constant 0 : index
    %get3A_270 = arith.constant 0 : index
    %get3A_271 = vector.load %arg12[%get3A_269, %get3A_270] : memref<1x256xf32, #tpu.memory_space<vmem>>, vector<1x256xf32>
    %add3A_272 = vector.broadcast %get3A_271 : vector<1x256xf32> to vector<64x256xf32>
    %add3A_273 = arith.addf %mul3A_268, %add3A_272 : vector<64x256xf32>
    %gt3A_274 = arith.constant 0.000000e+00 : f32
    %gt3A_275 = vector.broadcast %gt3A_274 : f32 to vector<64x256xf32>
    %gt3A_276 = arith.cmpf ogt, %add3A_273, %gt3A_275 : vector<64x256xf32>
    %exp3A_277 = math.exp %add3A_273 : vector<64x256xf32>
    %sub3A_278 = arith.constant 1.000000e+00 : f32
    %sub3A_279 = vector.broadcast %sub3A_278 : f32 to vector<64x256xf32>
    %sub3A_280 = arith.subf %exp3A_277, %sub3A_279 : vector<64x256xf32>
    %select_n3A_281 = arith.select %gt3A_276, %add3A_273, %sub3A_280 : vector<64x256xi1>, vector<64x256xf32>
    %swap3A = arith.constant 0 : index
    %swap3A_282 = arith.constant 0 : index
    %swap3A_283 = vector.load %arg13[%swap3A, %swap3A_282] : memref<64x256xf32, #tpu.memory_space<vmem>>, vector<64x256xf32>
    tpu.vector_store %arg13[%swap3A, %swap3A_282], %select_n3A_281 {strides = array<i32>} : memref<64x256xf32, #tpu.memory_space<vmem>>, vector<64x256xf32>,
    return
  }
}

</mosaic_0001>

<sc_bundles>
// kernel: kernel.5.cloned.1.call-start
scs
__scs_entry_jumppad:
0x0: {  	(pc) =	sbr.rel $0x88, $3  }
0x1: {  	(tag) =	ssettag $0x0;
	lr =	simm.s32 $0x1  }
0x2: {  	[smem:$0x3F95] =	sst lr;
	_ =	strace $0xD0000000  }
0x3: {  	_ = 	snop  }
0x4: {  	_ = 	snop  }
0x5: {  	_ = 	snop  }
0x6: {  	_ = 	snop  }
0x7: {  	_ = 	snop  }
__scs_overlays_trampoline_lowered:
0x8: {  	[smem:$0x3FA4] =	sst s0  }
0x9: {  	[smem:$0x3FA5] =	sst s1  }
0xa: {  	[smem:$0x3FA6] =	sst s2  }
0xb: {  	[smem:$0x3FA7] =	sst s3  }
0xc: {  	[smem:$0x3FA8] =	sst s4  }
0xd: {  	[smem:$0x3FA9] =	sst s5  }
0xe: {  	[smem:$0x3FAA] =	sst s6  }
0xf: {  	[smem:$0x3FAB] =	sst s7  }
0x10: {  	[smem:$0x3FAC] =	sst s8  }
0x11: {  	[smem:$0x3FAD] =	sst s9;
	s0 =	simm.s32 @!p0 $0x0  }
0x12: {  	s1 =	sld [smem:$0x3F93];
	s0 =	simm.s32 @p0 $0x1  }
0x13: {  	[smem:$0x3FAE] =	sst s0;
	s0 =	simm.s32 @!p1 $0x0  }
0x14: {  	s2 =	sld [smem:$0x3F92];
	s0 =	simm.s32 @p1 $0x1  }
0x15: {  	[smem:$0x3FAF] =	sst s0;
	s0 =	simm.s32 @!p2 $0x0  }
0x16: {  	s3 =	sld [smem:$0x3FDB];
	s0 =	simm.s32 @p2 $0x1  }
0x17: {  	s4 =	simm.s32 $0x1BF5;
	[smem:$0x3FB1] =	sst s0  }
0x18: {  	s0 =	sld [smem:$0x3F94];
	_ =	swait.ge [sflag:s4], $0x0  }
0x19: {  	s7 =	sld [smem:$0x3F95]  }
0x1a: {  	s8 =	sadd.s32 $0xFFFFE003, lr  }
0x1b: {  	s9 =	sadd.s32 $0xFFFFFEF7, lr;
	s5 =	simm.s32 $0xFFFFFFFF;
	p2 =	slt.u32 s8, $0xFFFFF086  }
0x1c: {  	p1 =	slt.u32 s9, $0xF7A;
	s5 =	simm.s32 @!p2 $0x0  }
0x1d: {  	s5 =	simm.s32 @p1 $0x1;
	p0 =	seq.s32 s7, s2  }
0x1e: {  	s7 =	smul.u32 @!p0 $0xF7A, s2;
	p2 =	seq.s32 @!p0 s5, $0x0  }
0x1f: {  	s9 =	smul.u32 $0xF7A, s1;
	s8 =	simm.s32 @!p0 $0x1BF5;
	p2 =	por !p2, p0  }
0x20: {  	[sflag:s8] =	ssyncset.s32 @!p0 $0xFFFFF086;
	s6 =	sadd.s32 @!p0 s3, s7;
	s7 =	simm.s32 @!p0 $0x108  }
0x21: {  	s3 =	sadd.s32 s3, s9;
	s6 =	sadd.s32 @!p0 $0x88, s6;
	s7 =	simm.s32 @p2 $0x1082  }
0x22: {  	[simem:s7], [sflag:s8] =	dma.local @!p0 [hbm:s6], $0xF7A  }
0x23: {  	s9 =	sor.u32 $0xD0000000, s2;
	s6 =	simm.s32 $0x108;
	_ =	swait.ge @!p0 [sflag:s8], $0x0  }
0x24: {  	s3 =	sadd.s32 $0x88, s3;
	s6 =	simm.s32 @!p1 $0x1082;
	[sflag:s4] =	ssyncset.s32 $0xFFFFF086  }
0x25: {  	[simem:s6], [sflag:s4] =	dma.local [hbm:s3], $0xF7A  }
0x26: {  	[smem:$0x3F95] =	sst s1;
	(tag) =	ssettag s2;
	_ =	strace s9  }
0x27: {  	s1 =	sld [smem:$0x3FA5]  }
0x28: {  	s2 =	sld [smem:$0x3FA6]  }
0x29: {  	s4 =	sld [smem:$0x3FA8]  }
0x2a: {  	p0 =	seq.s32 s5, $0x0;
	s5 =	sld [smem:$0x3FA9]  }
0x2b: {  	s6 =	sld [smem:$0x3FAA]  }
0x2c: {  	s7 =	sld [smem:$0x3FAB]  }
0x2d: {  	s3 =	simm.s32 $0x108;
	s8 =	sld [smem:$0x3FAC]  }
0x2e: {  	s3 =	simm.s32 @!p0 $0x1082;
	s9 =	sld [smem:$0x3FAD]  }
0x2f: {  	lr =	sadd.s32 s0, s3;
	s0 =	sld [smem:$0x3FA4]  }
0x30: {  	s3 =	sld [smem:$0x3FA7]  }
0x31: {  	[smem:$0x3FB0] =	sst s10  }
0x32: {  	s10 =	sld [smem:$0x3FAE];
	_ =	sdelay $0x3  }
0x33: {  	p0 =	seq.s32 s10, $0x1;
	s10 =	sld [smem:$0x3FB0];
	_ =	sdelay $0x3  }
0x34: {  	[smem:$0x3FB0] =	sst s10  }
0x35: {  	s10 =	sld [smem:$0x3FAF];
	_ =	sdelay $0x3  }
0x36: {  	p1 =	seq.s32 s10, $0x1;
	s10 =	sld [smem:$0x3FB0];
	_ =	sdelay $0x3  }
0x37: {  	[smem:$0x3FB0] =	sst s10  }
0x38: {  	s10 =	sld [smem:$0x3FB1]  }
0x39: {  	_ = 	snop;
	(pc) =	sbr.ind lr, $3  }
0x3a: {  	_ = 	snop  }
0x3b: {  	_ = 	snop  }
0x3c: {  	p2 =	seq.s32 s10, $0x1;
	s10 =	sld [smem:$0x3FB0]  }
0x3d: {  	_ =	shalt  }
0x3e: {  	_ =	shalt  }
0x3f: {  	_ =	shalt  }
0x40: {  	_ =	shalt  }
0x41: {  	_ =	shalt  }
0x42: {  	_ =	shalt  }
0x43: {  	_ =	shalt  }
0x44: {  	_ =	shalt  }
0x45: {  	_ =	shalt  }
0x46: {  	_ =	shalt  }
0x47: {  	_ =	shalt  }
0x48: {  	_ =	shalt  }
0x49: {  	_ =	shalt  }
0x4a: {  	_ =	shalt  }
0x4b: {  	_ =	shalt  }
0x4c: {  	_ =	shalt  }
0x4d: {  	_ =	shalt  }
0x4e: {  	_ =	shalt  }
0x4f: {  	_ =	shalt  }
0x50: {  	_ =	shalt  }
0x51: {  	_ =	shalt  }
0x52: {  	_ =	shalt  }
0x53: {  	_ =	shalt  }
0x54: {  	_ =	shalt  }
0x55: {  	_ =	shalt  }
0x56: {  	_ =	shalt  }
0x57: {  	_ =	shalt  }
0x58: {  	_ =	shalt  }
0x59: {  	_ =	shalt  }
0x5a: {  	_ =	shalt  }
0x5b: {  	_ =	shalt  }
0x5c: {  	_ =	shalt  }
0x5d: {  	_ =	shalt  }
0x5e: {  	_ =	shalt  }
0x5f: {  	_ =	shalt  }
0x60: {  	_ =	shalt  }
0x61: {  	_ =	shalt  }
0x62: {  	_ =	shalt  }
0x63: {  	_ =	shalt  }
0x64: {  	_ =	shalt  }
0x65: {  	_ =	shalt  }
0x66: {  	_ =	shalt  }
0x67: {  	_ =	shalt  }
0x68: {  	_ =	shalt  }
0x69: {  	_ =	shalt  }
0x6a: {  	_ =	shalt  }
0x6b: {  	_ =	shalt  }
0x6c: {  	_ =	shalt  }
0x6d: {  	_ =	shalt  }
0x6e: {  	_ =	shalt  }
0x6f: {  	_ =	shalt  }
0x70: {  	_ =	shalt  }
0x71: {  	_ =	shalt  }
0x72: {  	_ =	shalt  }
0x73: {  	_ =	shalt  }
0x74: {  	_ =	shalt  }
0x75: {  	_ =	shalt  }
0x76: {  	_ =	shalt  }
0x77: {  	_ =	shalt  }
0x78: {  	_ =	shalt  }
0x79: {  	_ =	shalt  }
0x7a: {  	_ =	shalt  }
0x7b: {  	_ =	shalt  }
0x7c: {  	_ =	shalt  }
0x7d: {  	_ =	shalt  }
0x7e: {  	_ =	shalt  }
0x7f: {  	_ =	shalt  }
0x80: {  	_ =	shalt  }
0x81: {  	_ =	shalt  }
0x82: {  	_ =	shalt  }
0x83: {  	_ =	shalt  }
0x84: {  	_ =	shalt  }
0x85: {  	_ =	shalt  }
0x86: {  	_ =	shalt  }
0x87: {  	_ =	shalt  }
.Lfunc_end0:
.L_simem_size_0:
called_computation_lowered:
.L_overlay_start_0:
0x88: {  	s2 =	sld [smem:$0x3FD9]  }
0x89: {  	s3 =	sld [smem:$0x3FFE];
	_ =	sdelay $0x1  }
0x8a: {  	s1 =	srdreg.scid  }
0x8b: {  	s0 =	sand.u32 $0x1, s1  }
0x8c: {  	s16 =	sshll.u32 s0, $0xA;
	s2 =	sadd.s32 s3, s2  }
0x8d: {  	s2 =	sadd.s32 s2, s16  }
0x8e: {  	[smem:$0x3FBC] =	sst s2  }
0x8f: {  	_ = 	snop  }
0x90: {  	(tm) =	ssettm $0x1  }
0x91: {  	s17 =	sld [smem:$0x3FFB];
	_ =	sdelay $0x3  }
0x92: {  	_ =	strace s17  }
0x93: {  	s2 =	sld [smem:$0x3FFC];
	_ =	sdelay $0x3  }
0x94: {  	_ =	strace s2  }
0x95: {  	s2 =	sld [smem:$0x3FFD];
	_ =	sdelay $0x3  }
0x96: {  	_ =	strace s2  }
0x97: {  	_ =	strace $0x8FFFFFFF  }
0x98: {  	s18 =	sld [smem:$0x3FDB];
	_ =	sdelay $0x1  }
0x99: {  	s19 =	simm.s32 $_scs_section_size  }
0x9a: {  	s4 =	simm.s32 $_size__tile_overlayer_lowered;
	s5 =	simm.s32 $_tile_overlayer_lowered  }
0x9b: {  	s22 =	simm.s32 $0x1BFF;
	s21 =	sshll.u32 s5, $0x1;
	s2 =	sadd.s32 s19, s18  }
0x9c: {  	s6 =	simm.s32 $0x0;
	s20 =	sshll.u32 s4, $0x1;
	s4 =	sadd.s32 s21, s2  }
0x9d: {  	[timem:s6], [sflag:s22] =	dma.local [hbm:s4], s20  }
0x9e: {  	_ =	swait.ge [sflag:s22], s20  }
0x9f: {  	s3 =	ssub.s32 $0x0, s20;
	[sflag:s22] =	ssyncset.done $0x0  }
0xa0: {  	[sflag:s22] =	ssyncadd.s32 s3;
	_ =	sdelay $0x1  }
0xa1: {  	s23 =	simm.s32 $0x1B8B  }
0xa2: {  	_ =	swait.ge [sflag:s23], $0x1  }
0xa3: {  	[sflag:s23] =	ssyncset.done $0x0  }
0xa4: {  	s25 =	simm.s32 $0x1B8E;
	s24 =	sld [smem:$0x3FFE];
	[sflag:s23] =	ssyncadd.s32 $0xFFFFFFFF  }
0xa5: {  	s26 =	simm.s32 $execute0_lowered;
	[smem:$0x3FD2] =	sst s25  }
0xa6: {  	s4 =	sshll.u32 s26, $0x1;
	_ =	strace $0x80000046;
	[dreg:$0x1] =	wrdreg $0xFFFFFFFF  }
0xa7: {  	s28 =	simm.s32 $_size_execute0_lowered;
	s2 =	sadd.s32 s2, s4;
	[dreg:$0x0] =	wrdreg $0x0  }
0xa8: {  	s4 =	sshll.u32 s28, $0x1;
	[dreg:$0x2] =	wrdreg s2  }
0xa9: {  	[dreg:$0x3] =	wrdreg s4  }
0xaa: {  	[dreg:$0x4] =	wrdreg $0xC0  }
0xab: {  	_ =	task [dreg:s6], $0x5FFFF  }
0xac: {  	[dreg:$0x1] =	wrdreg $0xFFFFFFFF  }
0xad: {  	[dreg:$0x0] =	wrdreg $0x60  }
0xae: {  	[dreg:$0x2] =	wrdreg s24  }
0xaf: {  	[dreg:$0x3] =	wrdreg $0x17C500  }
0xb0: {  	[dreg:$0x4] =	wrdreg $0x1A4500  }
0xb1: {  	[dreg:$0x5] =	wrdreg $0x9  }
0xb2: {  	_ =	task.clear_ibuf [dreg:s6], $0x6FFFF;
	_ =	strace $0x90000046  }
0xb3: {  	s29 =	simm.s32 $0x9;
	_ =	strace $0x80000048  }
0xb4: {  	_ =	swait.ge [sflag:s29], $0x1  }
0xb5: {  	[sflag:s29] =	ssyncadd.s32 $0xFFFFFFFF  }
0xb6: {  	_ =	strace $0x90000048  }
0xb7: {  	_ =	sfence  }
0xb8: {  	s30 =	sld [smem:$0x0];
	_ =	sdelay $0x2  }
0xb9: {  	s31 =	sshll.u32 s1, $0xD;
	s1 =	sshrl.u32 s1, $0x2  }
0xba: {  	s3 =	sand.u32 $0x4000, s31;
	s1 =	sadd.s32 s1, s30  }
0xbb: {  	s0 =	sor.u32 s3, s0;
	s1 =	sshll.u32 s1, $0x11  }
0xbc: {  	s0 =	sor.u32 s1, s0  }
0xbd: {  	s0 =	sadd.s32 $0x8F2B, s0  }
0xbe: {  	[sflag:s0] =	ssyncadd.remote.s32 $0x1  }
0xbf: {  	_ =	sfence.sel $0xFFFF  }
0xc0: {  	[dreg:$0x0] =	wrdreg $0xFFFFFFFF;
	(pc) =	sbr.abs _section_cstart, $3  }
0xc1: {  	[dreg:$0x1] =	wrdreg $0xFFFFFFFF  }
0xc2: {  	_ =	task.clear_ibuf [dreg:s6], $0x2FFFF;
	_ =	strace $0x9FFFFFFF  }
0xc3: {  	(tm) =	ssettm $0x7FFFFFFF  }
tec
execute0_lowered:
.L_overlay_start_1:
0x0: {  	(tag) =	ssettag $0x1  }
0x1: {  	s6 =	rddreg [dreg:$0x0]  }
0x2: {  	s2 =	rddreg [dreg:$0x1]  }
0x3: {  	s0 =	srdreg.scid;
	s3 =	rddreg [dreg:$0x2]  }
0x4: {  	s4 =	simm.s32 $0x0;
	s12 =	simm.s32 $0x1400;
	s13 =	simm.s32 $0x14C80  }
0x5: {  	s14 =	simm.s32 $0x3;
	s15 =	simm.s32 $0x1;
	s16 =	simm.s32 $0x2  }
0x6: {  	s17 =	simm.s32 $0x7D;
	s5 =	sand.u32 $0x1, s0;
	s0 =	stileid.u32  }
0x7: {  	s18 =	simm.s32 $0x17480;
	s1 =	sshll.u32 s5, $0x4;
	s9 =	smul.u32 $0x2800, s0  }
0x8: {  	s19 =	simm.s32 $0x0;
	s10 =	smul.u32 $0x28000, s5;
	s7 =	sor.u32 s0, s1  }
0x9: {  	[smem:$0x7FF] =	sst s4;
	s5 =	ssub.s32 $0x2, s5;
	s8 =	smul.u32 $0x2710, s7  }
0xa: {  	s1 =	rddreg [dreg:$0x3];
	s11 =	sshrl.u32 s5, $0x1;
	s7 =	smul.u32 $0x1400, s7  }
0xb: {  	_ =	strace $0x80000047;
	s10 =	sadd.s32 s9, s10;
	s11 =	ssub.s32 s5, s11  }
0xc: {  	s10 =	sshrl.u32 s10, $0x3;
	s11 =	smax.u32 s11, $0x1;
	s7 =	sshrl.u32 s7, $0x3  }
0xd: {  	s8 =	sadd.s32 s8, s6;
	s10 =	sadd.s32 s10, s6;
	s31 =	sadd.s32 s6, s7  }
0xe: {  	v0 =	vimm.f32 $0.0e+00;
	vm0 =	vcmask $0x300;
	s6 =	sadd.s32 $0x273E00, s8;
	s7 =	sadd.s32 s9, s2;
	s8 =	sadd.s32 s9, s3  }
0xf: {  	v1 =	vsel vm0, $0x3F800000, v0;
	s9 =	sadd.s32 $0xCE00, s10;
	s10 =	sadd.s32 $0x16E00, s10;
	s5 =	sadd.s32 $0x7E00, s31  }
.LBB2_1:
0x10: {  	[tilespmem:s4], [sflag:$0x1] =	stream.linear.gather [hbm4b:s5+s4], $0x1400, $0x38;
	[tilespmem:$0x1CC50] =	vst v63  }
0x11: {  	s20 =	simm.s32 $0x0  }
0x12: {  	[tilespmem:s12], [sflag:$0x2] =	stream.linear.gather [hbm4b:s6+s4], $0x13880, $0x38;
	[tilespmem:$0x1CC50] =	vst v63  }
.LBB2_2:
0x13: {  	p0 =	sne.s32 s20, $0x9FC0  }
.Ltmp0:
0x14: {  	_ = 	snop;
	(pc) =	sbr.rel @p0 .LBB2_2-.Ltmp0, $3  }
0x15: {  	_ =	sdelay $0x1  }
0x16: {  	s21 =	sshra.s32 s20, $0x2  }
0x17: {  	s20 =	sadd.s32 $0x40, s20;
	[tilespmem:s21+$0x14C80] =	vst v0  }
0x18: {  	s20 =	simm.s32 $0x40;
	s21 =	simm.s32 $0x0  }
.LBB2_4:
0x19: {  	p0 =	sne.s32 s20, $0x1F00;
	[tilespmem:s21+$0x17480] =	vst v1;
	s21 =	smov.u32 s20;
	s20 =	sadd.s32 $0x40, s20  }
.Ltmp1:
0x1a: {  	(pc) =	sbr.rel @p0 .LBB2_4-.Ltmp1, $2  }
0x1b: {  	_ =	sdelay $0x2  }
0x1c: {  	s21 =	sshra.s32 s21, $0x2  }
0x1d: {  	[tilespmem:s21+$0x17480] =	vst v1  }
0x1e: {  	[spmem:s7] =	stream.linear.scatter [tilespmem:s13], [sflag:$0x3], $0x2800, $0x38;
	[tilespmem:$0x1CC50] =	vst v63  }
0x1f: {  	_ =	swait.ge [sflag:s14], $0x2800  }
0x20: {  	[sflag:s14] =	ssyncset.done $0x0  }
0x21: {  	[sflag:s14] =	ssyncadd.s32 $0xFFFFD800  }
0x22: {  	[spmem:s8] =	stream.linear.scatter [tilespmem:s13], [sflag:$0x3], $0x2800, $0x38;
	[tilespmem:$0x1CC50] =	vst v63  }
0x23: {  	_ =	swait.ge [sflag:s14], $0x2800  }
0x24: {  	[sflag:s14] =	ssyncset.done $0x0  }
0x25: {  	[sflag:s14] =	ssyncadd.s32 $0xFFFFD800  }
0x26: {  	[bflag:$0x0] =	sbarrier.arrive $0xFFFF  }
0x27: {  	_ =	swait.ge [sflag:s15], $0x1400  }
0x28: {  	[sflag:s15] =	ssyncset.done $0x0  }
0x29: {  	[sflag:s15] =	ssyncadd.s32 $0xFFFFEC00  }
0x2a: {  	_ =	swait.ge [sflag:s16], $0x13880  }
0x2b: {  	[sflag:s16] =	ssyncset.done $0x0  }
0x2c: {  	s21 =	simm.s32 $0x0;
	p0 =	por $0x1, $0x1;
	[sflag:s16] =	ssyncadd.s32 $0xFFFEC780  }
.LBB2_6:
0x2d: {  	s20 =	smul.u32 $0x27100, s21  }
0x2e: {  	s22 =	smul.u32 $0x2800, s21  }
0x2f: {  	s21 =	smul.u32 $0x14, s21;
	_ =	sdelay $0x1  }
0x30: {  	s23 =	sshra.s32 s20, $0x2;
	s29 =	sor.u32 $0x1, s21  }
0x31: {  	s22 =	sshra.s32 s22, $0x2;
	s23 =	sadd.s32 $0x1400, s23;
	s24 =	smul.u32 $0x1F40, s29  }
0x32: {  	[spmem:s2] =	stream.indirect.scatter.add.f32 [tilespmem:s23], [sflag:$0x1], $0x10, s22, s17, $0xb8;
	[tilespmem:$0x1CC50] =	vst v63  }
0x33: {  	s31 =	sor.u32 $0x2, s21;
	s23 =	sshll.u32 s29, $0x7;
	s30 =	sshra.s32 s24, $0x2  }
0x34: {  	[spmem:s3] =	stream.indirect.scatter.add.f32 [tilespmem:s18], [sflag:$0x2], $0x10, s22, s17, $0xb8;
	[tilespmem:$0x1CC50] =	vst v63  }
0x35: {  	s25 =	smul.u32 $0x1F40, s31;
	s23 =	sand.u32 $0x3FFFFE80, s23;
	s22 =	sadd.s32 $0x1400, s30  }
0x36: {  	[spmem:s2] =	stream.indirect.scatter.add.f32 [tilespmem:s22], [sflag:$0x1], $0x10, s23, s17, $0xb8;
	[tilespmem:$0x1CC50] =	vst v63  }
0x37: {  	s28 =	sor.u32 $0x3, s21;
	s26 =	sshra.s32 s25, $0x2;
	s22 =	sshll.u32 s31, $0x7  }
0x38: {  	[spmem:s3] =	stream.indirect.scatter.add.f32 [tilespmem:s18], [sflag:$0x2], $0x10, s23, s17, $0xb8;
	[tilespmem:$0x1CC50] =	vst v63  }
0x39: {  	s29 =	smul.u32 $0x1F40, s28;
	s22 =	sand.u32 $0x3FFFFF00, s22;
	s23 =	sadd.s32 $0x1400, s26  }
0x3a: {  	[spmem:s2] =	stream.indirect.scatter.add.f32 [tilespmem:s23], [sflag:$0x1], $0x10, s22, s17, $0xb8;
	[tilespmem:$0x1CC50] =	vst v63  }
0x3b: {  	s30 =	sshra.s32 s29, $0x2;
	s31 =	sadd.s32 $0x4, s21;
	s23 =	sshll.u32 s28, $0x7  }
0x3c: {  	[spmem:s3] =	stream.indirect.scatter.add.f32 [tilespmem:s18], [sflag:$0x2], $0x10, s22, s17, $0xb8;
	[tilespmem:$0x1CC50] =	vst v63  }
0x3d: {  	s25 =	smul.u32 $0x1F40, s31;
	s23 =	sand.u32 $0x3FFFFF80, s23;
	s22 =	sadd.s32 $0x1400, s30  }
0x3e: {  	[spmem:s2] =	stream.indirect.scatter.add.f32 [tilespmem:s22], [sflag:$0x1], $0x10, s23, s17, $0xb8;
	[tilespmem:$0x1CC50] =	vst v63  }
0x3f: {  	s26 =	sshra.s32 s25, $0x2;
	s22 =	sshll.u32 s31, $0x7  }
0x40: {  	[spmem:s3] =	stream.indirect.scatter.add.f32 [tilespmem:s18], [sflag:$0x2], $0x10, s23, s17, $0xb8;
	[tilespmem:$0x1CC50] =	vst v63  }
0x41: {  	s22 =	sand.u32 $0x3FFFFE00, s22;
	s23 =	sadd.s32 $0x1400, s26  }
0x42: {  	[spmem:s2] =	stream.indirect.scatter.add.f32 [tilespmem:s23], [sflag:$0x1], $0x10, s22, s17, $0xb8;
	[tilespmem:$0x1CC50] =	vst v63  }
0x43: {  	s21 =	sshll.u32 s21, $0x7;
	s28 =	sadd.s32 $0x9C40, s20  }
0x44: {  	[spmem:s3] =	stream.indirect.scatter.add.f32 [tilespmem:s18], [sflag:$0x2], $0x10, s22, s17, $0xb8;
	[tilespmem:$0x1CC50] =	vst v63  }
0x45: {  	s29 =	sadd.s32 $0x280, s21;
	s22 =	sshra.s32 s28, $0x2  }
0x46: {  	s30 =	sadd.s32 $0xBB80, s20;
	s23 =	sand.u32 $0x3FFFFE80, s29;
	s22 =	sadd.s32 $0x1400, s22  }
0x47: {  	[spmem:s2] =	stream.indirect.scatter.add.f32 [tilespmem:s22], [sflag:$0x1], $0x10, s23, s17, $0xb8;
	[tilespmem:$0x1CC50] =	vst v63  }
0x48: {  	s31 =	sadd.s32 $0x300, s21;
	s22 =	sshra.s32 s30, $0x2  }
0x49: {  	[spmem:s3] =	stream.indirect.scatter.add.f32 [tilespmem:s18], [sflag:$0x2], $0x10, s23, s17, $0xb8;
	[tilespmem:$0x1CC50] =	vst v63  }
0x4a: {  	s22 =	sadd.s32 $0x1400, s22;
	s23 =	sand.u32 $0x3FFFFF00, s31  }
0x4b: {  	[spmem:s2] =	stream.indirect.scatter.add.f32 [tilespmem:s22], [sflag:$0x1], $0x10, s23, s17, $0xb8;
	[tilespmem:$0x1CC50] =	vst v63  }
0x4c: {  	_ = 	snop  }
0x4d: {  	[spmem:s3] =	stream.indirect.scatter.add.f32 [tilespmem:s18], [sflag:$0x2], $0x10, s23, s17, $0xb8;
	[tilespmem:$0x1CC50] =	vst v63  }
0x4e: {  	s23 =	sadd.s32 $0xDAC0, s20  }
0x4f: {  	s24 =	sadd.s32 $0x380, s21;
	s22 =	sshra.s32 s23, $0x2  }
0x50: {  	s25 =	sadd.s32 $0xFA00, s20;
	s23 =	sand.u32 $0x3FFFFF80, s24;
	s22 =	sadd.s32 $0x1400, s22  }
0x51: {  	[spmem:s2] =	stream.indirect.scatter.add.f32 [tilespmem:s22], [sflag:$0x1], $0x10, s23, s17, $0xb8;
	[tilespmem:$0x1CC50] =	vst v63  }
0x52: {  	s26 =	sadd.s32 $0x400, s21;
	s22 =	sshra.s32 s25, $0x2  }
0x53: {  	[spmem:s3] =	stream.indirect.scatter.add.f32 [tilespmem:s18], [sflag:$0x2], $0x10, s23, s17, $0xb8;
	[tilespmem:$0x1CC50] =	vst v63  }
0x54: {  	s28 =	sadd.s32 $0x11940, s20;
	s22 =	sadd.s32 $0x1400, s22;
	s23 =	sand.u32 $0x3FFFFE00, s26  }
0x55: {  	[spmem:s2] =	stream.indirect.scatter.add.f32 [tilespmem:s22], [sflag:$0x1], $0x10, s23, s17, $0xb8;
	[tilespmem:$0x1CC50] =	vst v63  }
0x56: {  	s29 =	sadd.s32 $0x480, s21;
	s22 =	sshra.s32 s28, $0x2  }
0x57: {  	[spmem:s3] =	stream.indirect.scatter.add.f32 [tilespmem:s18], [sflag:$0x2], $0x10, s23, s17, $0xb8;
	[tilespmem:$0x1CC50] =	vst v63  }
0x58: {  	s30 =	sadd.s32 $0x13880, s20;
	s22 =	sadd.s32 $0x1400, s22;
	s23 =	sand.u32 $0x3FFFFE80, s29  }
0x59: {  	[spmem:s2] =	stream.indirect.scatter.add.f32 [tilespmem:s22], [sflag:$0x1], $0x10, s23, s17, $0xb8;
	[tilespmem:$0x1CC50] =	vst v63  }
0x5a: {  	s31 =	sadd.s32 $0x500, s21;
	s22 =	sshra.s32 s30, $0x2  }
0x5b: {  	[spmem:s3] =	stream.indirect.scatter.add.f32 [tilespmem:s18], [sflag:$0x2], $0x10, s23, s17, $0xb8;
	[tilespmem:$0x1CC50] =	vst v63  }
0x5c: {  	s22 =	sadd.s32 $0x1400, s22;
	s23 =	sand.u32 $0x3FFFFF00, s31  }
0x5d: {  	[spmem:s2] =	stream.indirect.scatter.add.f32 [tilespmem:s22], [sflag:$0x1], $0x10, s23, s17, $0xb8;
	[tilespmem:$0x1CC50] =	vst v63  }
0x5e: {  	_ = 	snop  }
0x5f: {  	[spmem:s3] =	stream.indirect.scatter.add.f32 [tilespmem:s18], [sflag:$0x2], $0x10, s23, s17, $0xb8;
	[tilespmem:$0x1CC50] =	vst v63  }
0x60: {  	s23 =	sadd.s32 $0x157C0, s20  }
0x61: {  	s24 =	sadd.s32 $0x580, s21;
	s22 =	sshra.s32 s23, $0x2  }
0x62: {  	s25 =	sadd.s32 $0x17700, s20;
	s23 =	sand.u32 $0x3FFFFF80, s24;
	s22 =	sadd.s32 $0x1400, s22  }
0x63: {  	[spmem:s2] =	stream.indirect.scatter.add.f32 [tilespmem:s22], [sflag:$0x1], $0x10, s23, s17, $0xb8;
	[tilespmem:$0x1CC50] =	vst v63  }
0x64: {  	s26 =	sadd.s32 $0x600, s21;
	s22 =	sshra.s32 s25, $0x2  }
0x65: {  	[spmem:s3] =	stream.indirect.scatter.add.f32 [tilespmem:s18], [sflag:$0x2], $0x10, s23, s17, $0xb8;
	[tilespmem:$0x1CC50] =	vst v63  }
0x66: {  	s28 =	sadd.s32 $0x19640, s20;
	s22 =	sadd.s32 $0x1400, s22;
	s23 =	sand.u32 $0x3FFFFE00, s26  }
0x67: {  	[spmem:s2] =	stream.indirect.scatter.add.f32 [tilespmem:s22], [sflag:$0x1], $0x10, s23, s17, $0xb8;
	[tilespmem:$0x1CC50] =	vst v63  }
0x68: {  	s29 =	sadd.s32 $0x680, s21;
	s22 =	sshra.s32 s28, $0x2  }
0x69: {  	[spmem:s3] =	stream.indirect.scatter.add.f32 [tilespmem:s18], [sflag:$0x2], $0x10, s23, s17, $0xb8;
	[tilespmem:$0x1CC50] =	vst v63  }
0x6a: {  	s30 =	sadd.s32 $0x1B580, s20;
	s22 =	sadd.s32 $0x1400, s22;
	s23 =	sand.u32 $0x3FFFFE80, s29  }
0x6b: {  	[spmem:s2] =	stream.indirect.scatter.add.f32 [tilespmem:s22], [sflag:$0x1], $0x10, s23, s17, $0xb8;
	[tilespmem:$0x1CC50] =	vst v63  }
0x6c: {  	s31 =	sadd.s32 $0x700, s21;
	s22 =	sshra.s32 s30, $0x2  }
0x6d: {  	[spmem:s3] =	stream.indirect.scatter.add.f32 [tilespmem:s18], [sflag:$0x2], $0x10, s23, s17, $0xb8;
	[tilespmem:$0x1CC50] =	vst v63  }
0x6e: {  	s22 =	sadd.s32 $0x1400, s22;
	s23 =	sand.u32 $0x3FFFFF00, s31  }
0x6f: {  	[spmem:s2] =	stream.indirect.scatter.add.f32 [tilespmem:s22], [sflag:$0x1], $0x10, s23, s17, $0xb8;
	[tilespmem:$0x1CC50] =	vst v63  }
0x70: {  	_ = 	snop  }
0x71: {  	[spmem:s3] =	stream.indirect.scatter.add.f32 [tilespmem:s18], [sflag:$0x2], $0x10, s23, s17, $0xb8;
	[tilespmem:$0x1CC50] =	vst v63  }
0x72: {  	s23 =	sadd.s32 $0x1D4C0, s20  }
0x73: {  	s24 =	sadd.s32 $0x780, s21;
	s22 =	sshra.s32 s23, $0x2  }
0x74: {  	s25 =	sadd.s32 $0x1F400, s20;
	s23 =	sand.u32 $0x3FFFFF80, s24;
	s22 =	sadd.s32 $0x1400, s22  }
0x75: {  	[spmem:s2] =	stream.indirect.scatter.add.f32 [tilespmem:s22], [sflag:$0x1], $0x10, s23, s17, $0xb8;
	[tilespmem:$0x1CC50] =	vst v63  }
0x76: {  	s26 =	sadd.s32 $0x800, s21;
	s22 =	sshra.s32 s25, $0x2  }
0x77: {  	[spmem:s3] =	stream.indirect.scatter.add.f32 [tilespmem:s18], [sflag:$0x2], $0x10, s23, s17, $0xb8;
	[tilespmem:$0x1CC50] =	vst v63  }
0x78: {  	s28 =	sadd.s32 $0x21340, s20;
	s22 =	sadd.s32 $0x1400, s22;
	s23 =	sand.u32 $0x3FFFFE00, s26  }
0x79: {  	[spmem:s2] =	stream.indirect.scatter.add.f32 [tilespmem:s22], [sflag:$0x1], $0x10, s23, s17, $0xb8;
	[tilespmem:$0x1CC50] =	vst v63  }
0x7a: {  	s29 =	sadd.s32 $0x880, s21;
	s22 =	sshra.s32 s28, $0x2  }
0x7b: {  	[spmem:s3] =	stream.indirect.scatter.add.f32 [tilespmem:s18], [sflag:$0x2], $0x10, s23, s17, $0xb8;
	[tilespmem:$0x1CC50] =	vst v63  }
0x7c: {  	s30 =	sadd.s32 $0x23280, s20;
	s22 =	sadd.s32 $0x1400, s22;
	s23 =	sand.u32 $0x3FFFFE80, s29  }
0x7d: {  	[spmem:s2] =	stream.indirect.scatter.add.f32 [tilespmem:s22], [sflag:$0x1], $0x10, s23, s17, $0xb8;
	[tilespmem:$0x1CC50] =	vst v63  }
0x7e: {  	s31 =	sadd.s32 $0x900, s21;
	s22 =	sshra.s32 s30, $0x2  }
0x7f: {  	[spmem:s3] =	stream.indirect.scatter.add.f32 [tilespmem:s18], [sflag:$0x2], $0x10, s23, s17, $0xb8;
	[tilespmem:$0x1CC50] =	vst v63  }
0x80: {  	s20 =	sadd.s32 $0x251C0, s20;
	s22 =	sadd.s32 $0x1400, s22;
	s23 =	sand.u32 $0x3FFFFF00, s31  }
0x81: {  	[spmem:s2] =	stream.indirect.scatter.add.f32 [tilespmem:s22], [sflag:$0x1], $0x10, s23, s17, $0xb8;
	[tilespmem:$0x1CC50] =	vst v63  }
0x82: {  	s21 =	sadd.s32 $0x980, s21;
	s20 =	sshra.s32 s20, $0x2  }
0x83: {  	[spmem:s3] =	stream.indirect.scatter.add.f32 [tilespmem:s18], [sflag:$0x2], $0x10, s23, s17, $0xb8;
	[tilespmem:$0x1CC50] =	vst v63  }
0x84: {  	s21 =	sand.u32 $0x3FFFFF80, s21;
	s20 =	sadd.s32 $0x1400, s20  }
0x85: {  	[spmem:s2] =	stream.indirect.scatter.add.f32 [tilespmem:s20], [sflag:$0x1], $0x10, s21, s17, $0xb8;
	[tilespmem:$0x1CC50] =	vst v63  }
0x86: {  	_ = 	snop  }
0x87: {  	[spmem:s3] =	stream.indirect.scatter.add.f32 [tilespmem:s18], [sflag:$0x2], $0x10, s21, s17, $0xb8;
	[tilespmem:$0x1CC50] =	vst v63  }
0x88: {  	s21 =	simm.s32 $0x1  }
0x89: {  	_ =	swait.ge [sflag:s21], $0x7D0  }
0x8a: {  	[sflag:s21] =	ssyncset.done $0x0  }
0x8b: {  	[sflag:s21] =	ssyncadd.s32 $0xFFFFF830  }
0x8c: {  	_ =	swait.ge [sflag:s16], $0x7D0  }
0x8d: {  	[sflag:s16] =	ssyncset.done $0x0  }
0x8e: {  	[sflag:s16] =	ssyncadd.s32 $0xFFFFF830  }
0x8f: {  	_ =	swait.ge [sflag:s21], $0x7D0  }
0x90: {  	[sflag:s21] =	ssyncset.done $0x0  }
0x91: {  	[sflag:s21] =	ssyncadd.s32 $0xFFFFF830  }
0x92: {  	_ =	swait.ge [sflag:s16], $0x7D0  }
0x93: {  	[sflag:s16] =	ssyncset.done $0x0  }
0x94: {  	[sflag:s16] =	ssyncadd.s32 $0xFFFFF830  }
0x95: {  	_ =	swait.ge [sflag:s21], $0x7D0  }
0x96: {  	[sflag:s21] =	ssyncset.done $0x0  }
0x97: {  	[sflag:s21] =	ssyncadd.s32 $0xFFFFF830  }
0x98: {  	_ =	swait.ge [sflag:s16], $0x7D0  }
0x99: {  	[sflag:s16] =	ssyncset.done $0x0  }
0x9a: {  	[sflag:s16] =	ssyncadd.s32 $0xFFFFF830  }
0x9b: {  	_ =	swait.ge [sflag:s21], $0x7D0  }
0x9c: {  	[sflag:s21] =	ssyncset.done $0x0  }
0x9d: {  	[sflag:s21] =	ssyncadd.s32 $0xFFFFF830  }
0x9e: {  	_ =	swait.ge [sflag:s16], $0x7D0  }
0x9f: {  	[sflag:s16] =	ssyncset.done $0x0  }
0xa0: {  	[sflag:s16] =	ssyncadd.s32 $0xFFFFF830  }
0xa1: {  	_ =	swait.ge [sflag:s21], $0x7D0  }
0xa2: {  	[sflag:s21] =	ssyncset.done $0x0  }
0xa3: {  	[sflag:s21] =	ssyncadd.s32 $0xFFFFF830  }
0xa4: {  	_ =	swait.ge [sflag:s16], $0x7D0  }
0xa5: {  	[sflag:s16] =	ssyncset.done $0x0  }
0xa6: {  	[sflag:s16] =	ssyncadd.s32 $0xFFFFF830  }
0xa7: {  	_ =	swait.ge [sflag:s21], $0x7D0  }
0xa8: {  	[sflag:s21] =	ssyncset.done $0x0  }
0xa9: {  	[sflag:s21] =	ssyncadd.s32 $0xFFFFF830  }
0xaa: {  	_ =	swait.ge [sflag:s16], $0x7D0  }
0xab: {  	[sflag:s16] =	ssyncset.done $0x0  }
0xac: {  	[sflag:s16] =	ssyncadd.s32 $0xFFFFF830  }
0xad: {  	_ =	swait.ge [sflag:s21], $0x7D0  }
0xae: {  	[sflag:s21] =	ssyncset.done $0x0  }
0xaf: {  	[sflag:s21] =	ssyncadd.s32 $0xFFFFF830  }
0xb0: {  	_ =	swait.ge [sflag:s16], $0x7D0  }
0xb1: {  	[sflag:s16] =	ssyncset.done $0x0  }
0xb2: {  	[sflag:s16] =	ssyncadd.s32 $0xFFFFF830  }
0xb3: {  	_ =	swait.ge [sflag:s21], $0x7D0  }
0xb4: {  	[sflag:s21] =	ssyncset.done $0x0  }
0xb5: {  	[sflag:s21] =	ssyncadd.s32 $0xFFFFF830  }
0xb6: {  	_ =	swait.ge [sflag:s16], $0x7D0  }
0xb7: {  	[sflag:s16] =	ssyncset.done $0x0  }
0xb8: {  	[sflag:s16] =	ssyncadd.s32 $0xFFFFF830  }
0xb9: {  	_ =	swait.ge [sflag:s21], $0x7D0  }
0xba: {  	[sflag:s21] =	ssyncset.done $0x0  }
0xbb: {  	[sflag:s21] =	ssyncadd.s32 $0xFFFFF830  }
0xbc: {  	_ =	swait.ge [sflag:s16], $0x7D0  }
0xbd: {  	[sflag:s16] =	ssyncset.done $0x0  }
0xbe: {  	[sflag:s16] =	ssyncadd.s32 $0xFFFFF830  }
0xbf: {  	_ =	swait.ge [sflag:s21], $0x7D0  }
0xc0: {  	[sflag:s21] =	ssyncset.done $0x0  }
0xc1: {  	[sflag:s21] =	ssyncadd.s32 $0xFFFFF830  }
0xc2: {  	_ =	swait.ge [sflag:s16], $0x7D0  }
0xc3: {  	[sflag:s16] =	ssyncset.done $0x0  }
0xc4: {  	[sflag:s16] =	ssyncadd.s32 $0xFFFFF830  }
0xc5: {  	_ =	swait.ge [sflag:s21], $0x7D0  }
0xc6: {  	[sflag:s21] =	ssyncset.done $0x0  }
0xc7: {  	[sflag:s21] =	ssyncadd.s32 $0xFFFFF830  }
0xc8: {  	_ =	swait.ge [sflag:s16], $0x7D0  }
0xc9: {  	[sflag:s16] =	ssyncset.done $0x0  }
0xca: {  	[sflag:s16] =	ssyncadd.s32 $0xFFFFF830  }
0xcb: {  	_ =	swait.ge [sflag:s21], $0x7D0  }
0xcc: {  	[sflag:s21] =	ssyncset.done $0x0  }
0xcd: {  	[sflag:s21] =	ssyncadd.s32 $0xFFFFF830  }
0xce: {  	_ =	swait.ge [sflag:s16], $0x7D0  }
0xcf: {  	[sflag:s16] =	ssyncset.done $0x0  }
0xd0: {  	[sflag:s16] =	ssyncadd.s32 $0xFFFFF830  }
0xd1: {  	_ =	swait.ge [sflag:s21], $0x7D0  }
0xd2: {  	[sflag:s21] =	ssyncset.done $0x0  }
0xd3: {  	[sflag:s21] =	ssyncadd.s32 $0xFFFFF830  }
0xd4: {  	_ =	swait.ge [sflag:s16], $0x7D0  }
0xd5: {  	[sflag:s16] =	ssyncset.done $0x0  }
0xd6: {  	[sflag:s16] =	ssyncadd.s32 $0xFFFFF830  }
0xd7: {  	_ =	swait.ge [sflag:s21], $0x7D0  }
0xd8: {  	[sflag:s21] =	ssyncset.done $0x0  }
0xd9: {  	[sflag:s21] =	ssyncadd.s32 $0xFFFFF830  }
0xda: {  	_ =	swait.ge [sflag:s16], $0x7D0  }
0xdb: {  	[sflag:s16] =	ssyncset.done $0x0  }
0xdc: {  	[sflag:s16] =	ssyncadd.s32 $0xFFFFF830  }
0xdd: {  	_ =	swait.ge [sflag:s21], $0x7D0  }
0xde: {  	[sflag:s21] =	ssyncset.done $0x0  }
0xdf: {  	[sflag:s21] =	ssyncadd.s32 $0xFFFFF830  }
0xe0: {  	_ =	swait.ge [sflag:s16], $0x7D0  }
0xe1: {  	[sflag:s16] =	ssyncset.done $0x0  }
0xe2: {  	[sflag:s16] =	ssyncadd.s32 $0xFFFFF830  }
0xe3: {  	_ =	swait.ge [sflag:s21], $0x7D0  }
0xe4: {  	[sflag:s21] =	ssyncset.done $0x0  }
0xe5: {  	[sflag:s21] =	ssyncadd.s32 $0xFFFFF830  }
0xe6: {  	_ =	swait.ge [sflag:s16], $0x7D0  }
0xe7: {  	[sflag:s16] =	ssyncset.done $0x0  }
0xe8: {  	[sflag:s16] =	ssyncadd.s32 $0xFFFFF830  }
0xe9: {  	_ =	swait.ge [sflag:s21], $0x7D0  }
0xea: {  	[sflag:s21] =	ssyncset.done $0x0  }
0xeb: {  	[sflag:s21] =	ssyncadd.s32 $0xFFFFF830  }
0xec: {  	_ =	swait.ge [sflag:s16], $0x7D0  }
0xed: {  	[sflag:s16] =	ssyncset.done $0x0  }
0xee: {  	[sflag:s16] =	ssyncadd.s32 $0xFFFFF830  }
0xef: {  	_ =	swait.ge [sflag:s21], $0x7D0  }
0xf0: {  	[sflag:s21] =	ssyncset.done $0x0  }
0xf1: {  	[sflag:s21] =	ssyncadd.s32 $0xFFFFF830  }
0xf2: {  	_ =	swait.ge [sflag:s16], $0x7D0  }
0xf3: {  	[sflag:s16] =	ssyncset.done $0x0  }
0xf4: {  	[sflag:s16] =	ssyncadd.s32 $0xFFFFF830  }
0xf5: {  	_ =	swait.ge [sflag:s21], $0x7D0  }
0xf6: {  	[sflag:s21] =	ssyncset.done $0x0  }
0xf7: {  	[sflag:s21] =	ssyncadd.s32 $0xFFFFF830  }
0xf8: {  	_ =	swait.ge [sflag:s16], $0x7D0  }
0xf9: {  	[sflag:s16] =	ssyncset.done $0x0  }
0xfa: {  	[sflag:s16] =	ssyncadd.s32 $0xFFFFF830  }
0xfb: {  	p1 =	por p0, p0;
	_ =	swait.ge [sflag:s21], $0x7D0  }
.Ltmp2:
0xfc: {  	[sflag:s21] =	ssyncset.done $0x0;
	(pc) =	sbr.rel @p1 .LBB2_6-.Ltmp2, $4  }
0xfd: {  	[sflag:s21] =	ssyncadd.s32 $0xFFFFF830  }
0xfe: {  	_ =	swait.ge [sflag:s16], $0x7D0  }
0xff: {  	[sflag:s16] =	ssyncset.done $0x0  }
0x100: {  	p0 =	por $0x0, $0x0;
	[sflag:s16] =	ssyncadd.s32 $0xFFFFF830  }
0x101: {  	s20 =	sshll.u32 s0, $0x6  }
0x102: {  	[bflag:$0x0] =	sbarrier.arrive $0xFFFF;
	s22 =	sshrl.u32 s7, $0x3;
	s31 =	sshrl.u32 s8, $0x3  }
0x103: {  	s19 =	sadd.s32 $0x1, s19;
	s21 =	sor.u32 $0x1C01, s20;
	s20 =	sor.u32 $0x1C02, s20  }
0x104: {  	[hbm:s9], [sflag:s21] =	dma.local [spmem:s22], $0x500  }
0x105: {  	[hbm:s10], [sflag:s20] =	dma.local [spmem:s31], $0x500  }
0x106: {  	p0 =	sne.s32 s19, s11;
	_ =	swait.ge [sflag:s15], $0x500  }
.Ltmp3:
0x107: {  	[sflag:s15] =	ssyncset.done $0x0;
	(pc) =	sbr.rel @p0 .LBB2_1-.Ltmp3, $4  }
0x108: {  	[sflag:s15] =	ssyncadd.s32 $0xFFFFFB00  }
0x109: {  	_ =	swait.ge [sflag:s16], $0x500  }
0x10a: {  	[sflag:s16] =	ssyncset.done $0x0  }
0x10b: {  	[sflag:s16] =	ssyncadd.s32 $0xFFFFFB00  }
0x10c: {  	_ =	sfence.sel $0x180000  }
0x10d: {  	[bflag:$0x0] =	sbarrier.arrive $0xFFFF  }
0x10e: {  	p0 =	sne.s32 s0, $0x0;
	_ =	strace $0x90000047  }
0x10f: {  	s0 =	sadd.s32 @!p0 $0x100000, s1;
	[bflag:$0x2] =	sbarrier.arrive $0xFFFF  }
0x110: {  	[sflag:s0] =	ssyncadd.tile.s32 @!p0 $0x1;
	_ =	shalt  }
.Lfunc_end2:
_tile_overlayer_lowered:
.L_overlay_start_2:
0x111: {  	(tag) =	ssettag $0x2  }
0x112: {  	s0 =	rddreg [dreg:$0x0];
	s2 =	stileid.u32  }
0x113: {  	s1 =	rddreg [dreg:$0x1];
	p0 =	sne.s32 s2, $0x0  }
0x114: {  	s3 =	rddreg [dreg:$0x2];
	[bflag:$0x3] =	sbarrier.arrive $0xFFFF;
	s2 =	simm.s32 @!p0 $0x1C03  }
0x115: {  	[timem:s3], [sflag:s2] =	dma.local @!p0 [hbm:s0], s1  }
0x116: {  	s0 =	simm.s32 @!p0 $0x3  }
0x117: {  	_ =	swait.ge @!p0 [sflag:s0], s1  }
0x118: {  	s1 =	ssub.s32 @!p0 $0x0, s1;
	[sflag:s0] =	ssyncset.done @!p0 $0x0  }
0x119: {  	[sflag:s0] =	ssyncadd.s32 @!p0 s1  }
0x11a: {  	[bflag:$0x3] =	sbarrier.arrive $0xFFFF  }
0x11b: {  	_ =	shalt  }

</sc_bundles>
